<compile_context>
chip_gen: v7x
topology: tpu7x:2x2x1
jax: 0.10.2.dev20260603
libtpu: 0.0.44.dev20260713+nightly
codegen_flags: <defaults>
</compile_context>

<pallas_src>
import functools

import jax
import jax.numpy as jnp
from jax import lax
from jax.experimental import pallas as pl
from jax.experimental.pallas import tpu as pltpu
from jax.experimental.pallas import tpu_sc as plsc

N = 10000
E = 320000
D = 128
NPAD = 10240
RB = 512
NBLK = NPAD // RB
NW = 32
CHUNK = 128
EPAD = 327680
EW = EPAD // NW
WCHUNKS = EW // CHUNK
ROWS_PER_TILE = NPAD // 16
HCHUNKS = WCHUNKS // 2


def _mesh():
    return plsc.VectorSubcoreMesh(core_axis_name="c", subcore_axis_name="s")


def _sc_deg(dst2d, zeros16):
    @functools.partial(
        pl.kernel,
        mesh=_mesh(),
        out_type=jax.ShapeDtypeStruct((2, NPAD, 16), jnp.float32),
        scratch_types=[
            pltpu.VMEM((WCHUNKS, CHUNK), jnp.int32),
            pltpu.VMEM((CHUNK, 16), jnp.float32),
            pltpu.VMEM_SHARED((NPAD, 16), jnp.float32),
        ],
    )
    def k(dst_h, z_h, deg_h, didx_v, ones_v, deg2_s):
        cid = lax.axis_index("c")
        sid = lax.axis_index("s")
        wid = sid * 2 + cid

        def fill(i, _):
            ones_v[i] = jnp.ones((16,), jnp.float32)
            return 0

        lax.fori_loop(0, CHUNK, fill, 0)
        sl = pl.ds(sid * ROWS_PER_TILE, ROWS_PER_TILE)
        pltpu.sync_copy(z_h.at[sl], deg2_s.at[sl])
        pltpu.sync_copy(dst_h.at[pl.ds(wid * WCHUNKS, WCHUNKS)], didx_v)
        plsc.subcore_barrier()

        def body(c, _):
            pltpu.sync_copy(ones_v, deg2_s.at[didx_v.at[c]], add=True)
            return 0

        lax.fori_loop(0, WCHUNKS, body, 0)
        plsc.subcore_barrier()
        pltpu.sync_copy(deg2_s.at[sl], deg_h.at[cid, sl])

    return k(dst2d, zeros16)


def _sc_scatter(y, src2d, dst2d, zeros128):
    @functools.partial(
        pl.kernel,
        mesh=_mesh(),
        out_type=jax.ShapeDtypeStruct((2, NPAD, D), jnp.float32),
        scratch_types=[
            pltpu.VMEM((HCHUNKS, CHUNK), jnp.int32),
            pltpu.VMEM((HCHUNKS, CHUNK), jnp.int32),
            pltpu.VMEM((CHUNK, D), jnp.float32),
            pltpu.VMEM((CHUNK, D), jnp.float32),
            pltpu.SemaphoreType.DMA,
            pltpu.SemaphoreType.DMA,
            pltpu.VMEM_SHARED((NPAD, D), jnp.float32),
        ],
    )
    def k(y_h, src_h, dst_h, z_h, acc_h, sidx_v, didx_v, rows0_v, rows1_v,
          gsem0, gsem1, acc_s):
        cid = lax.axis_index("c")
        sid = lax.axis_index("s")
        wid = sid * 2 + cid
        sl = pl.ds(sid * ROWS_PER_TILE, ROWS_PER_TILE)
        pltpu.sync_copy(z_h.at[sl], acc_s.at[sl])
        plsc.subcore_barrier()

        def gather(c, p):
            buf = rows0_v if p == 0 else rows1_v
            sem = gsem0 if p == 0 else gsem1
            pltpu.async_copy(y_h.at[sidx_v.at[c]], buf, sem)

        def gather_wait(c, p):
            buf = rows0_v if p == 0 else rows1_v
            sem = gsem0 if p == 0 else gsem1
            pltpu.make_async_copy(y_h.at[sidx_v.at[c]], buf, sem).wait()

        for ph in range(2):
            base = wid * WCHUNKS + ph * HCHUNKS
            pltpu.sync_copy(src_h.at[pl.ds(base, HCHUNKS)], sidx_v)
            pltpu.sync_copy(dst_h.at[pl.ds(base, HCHUNKS)], didx_v)
            gather(0, 0)

            def body(h, _):
                c0 = h * 2
                gather(c0 + 1, 1)
                gather_wait(c0, 0)
                pltpu.sync_copy(rows0_v, acc_s.at[didx_v.at[c0]], add=True)

                @pl.when(c0 + 2 < HCHUNKS)
                def _():
                    gather(c0 + 2, 0)

                gather_wait(c0 + 1, 1)
                pltpu.sync_copy(rows1_v, acc_s.at[didx_v.at[c0 + 1]],
                                add=True)
                return 0

            lax.fori_loop(0, HCHUNKS // 2, body, 0)
        plsc.subcore_barrier()
        pltpu.sync_copy(acc_s.at[sl], acc_h.at[cid, sl])

    return k(y, src2d, dst2d, zeros128)


def _dinv_block(deg_block):
    d = deg_block[0] + deg_block[1]
    s = d[:, 0:1] + 1.0
    return lax.rsqrt(s)


def _tc1_body(x_r, w_r, deg_r, y_r):
    dinv = _dinv_block(deg_r[...])
    xw = jnp.dot(x_r[...], w_r[...], preferred_element_type=jnp.float32)
    y_r[...] = xw * dinv


def _tc1(x_pad, W1, degp):
    return pl.pallas_call(
        _tc1_body,
        grid=(NBLK,),
        in_specs=[
            pl.BlockSpec((RB, D), lambda i: (i, 0)),
            pl.BlockSpec((D, D), lambda i: (0, 0)),
            pl.BlockSpec((2, RB, 16), lambda i: (0, i, 0)),
        ],
        out_specs=pl.BlockSpec((RB, D), lambda i: (i, 0)),
        out_shape=jax.ShapeDtypeStruct((NPAD, D), jnp.float32),
    )(x_pad, W1, degp)


def _tc2_body(acc_r, y1_r, deg_r, w_r, b_r, y2_r):
    dinv = _dinv_block(deg_r[...])
    acc = acc_r[...]
    s = acc[0] + acc[1] + y1_r[...]
    h = jnp.maximum(s * dinv + b_r[...], 0.0)
    y2_r[...] = jnp.dot(h, w_r[...], preferred_element_type=jnp.float32) * dinv


def _tc2(acc1, y1, degp, W2, b1):
    return pl.pallas_call(
        _tc2_body,
        grid=(NBLK,),
        in_specs=[
            pl.BlockSpec((2, RB, D), lambda i: (0, i, 0)),
            pl.BlockSpec((RB, D), lambda i: (i, 0)),
            pl.BlockSpec((2, RB, 16), lambda i: (0, i, 0)),
            pl.BlockSpec((D, D), lambda i: (0, 0)),
            pl.BlockSpec((1, D), lambda i: (0, 0)),
        ],
        out_specs=pl.BlockSpec((RB, D), lambda i: (i, 0)),
        out_shape=jax.ShapeDtypeStruct((NPAD, D), jnp.float32),
    )(acc1, y1, degp, W2, b1)


def _tc3_body(acc_r, y2_r, deg_r, b2_r, w3_r, b3_r, o_r):
    i = pl.program_id(0)
    dinv = _dinv_block(deg_r[...])
    acc = acc_r[...]
    s = acc[0] + acc[1] + y2_r[...]
    h2 = jnp.maximum(s * dinv + b2_r[...], 0.0)
    t = jnp.dot(h2, w3_r[...], preferred_element_type=jnp.float32)[:, 0:1]
    v = jnp.maximum(t + b3_r[...], 0.0)
    rows = lax.broadcasted_iota(jnp.int32, (RB, 1), 0) + i * RB
    v = jnp.where(rows < N, v, 0.0)
    ps = jnp.sum(v)

    @pl.when(i == 0)
    def _():
        o_r[...] = jnp.zeros_like(o_r)

    o_r[...] = o_r[...] + ps

    @pl.when(i == NBLK - 1)
    def _():
        o_r[...] = o_r[...] * (1.0 / N)


def _tc3(acc2, y2, degp, b2, W3p, b3):
    return pl.pallas_call(
        _tc3_body,
        grid=(NBLK,),
        in_specs=[
            pl.BlockSpec((2, RB, D), lambda i: (0, i, 0)),
            pl.BlockSpec((RB, D), lambda i: (i, 0)),
            pl.BlockSpec((2, RB, 16), lambda i: (0, i, 0)),
            pl.BlockSpec((1, D), lambda i: (0, 0)),
            pl.BlockSpec((D, D), lambda i: (0, 0)),
            pl.BlockSpec((1, 1), lambda i: (0, 0)),
        ],
        out_specs=pl.BlockSpec((1, 1), lambda i: (0, 0)),
        out_shape=jax.ShapeDtypeStruct((1, 1), jnp.float32),
    )(acc2, y2, degp, b2, W3p, b3)


def kernel(x, edge_index, W1, b1, W2, b2, W3, b3):
    f32 = jnp.float32
    ei = edge_index.astype(jnp.int32)
    pad = jnp.full((EPAD - E,), N, jnp.int32)
    src2d = jnp.concatenate([ei[0], pad]).reshape(EPAD // CHUNK, CHUNK)
    dst2d = jnp.concatenate([ei[1], pad]).reshape(EPAD // CHUNK, CHUNK)
    x_pad = jnp.pad(x.astype(f32), ((0, NPAD - N), (0, 0)))
    zeros16 = jnp.zeros((NPAD, 16), f32)
    zeros128 = jnp.zeros((NPAD, D), f32)
    W3p = jnp.pad(W3.astype(f32), ((0, 0), (0, D - W3.shape[1])))

    degp = _sc_deg(dst2d, zeros16)
    y1 = _tc1(x_pad, W1.astype(f32), degp)
    acc1 = _sc_scatter(y1, src2d, dst2d, zeros128)
    y2 = _tc2(acc1, y1, degp, W2.astype(f32), b1.astype(f32).reshape(1, D))
    acc2 = _sc_scatter(y2, src2d, dst2d, zeros128)
    out = _tc3(acc2, y2, degp, b2.astype(f32).reshape(1, D), W3p,
               b3.astype(f32).reshape(1, 1))
    return out

# --- scband reference (transcript-rebuilt; emitter-appended) ---
"""Pipeline reference for scband-vanilla-gnn-18193481466236 (READ-ONLY COPY).

The authoritative reference and input builder live on the scoring server;
editing this copy changes nothing except your own understanding.
"""

import jax, jax.numpy as jnp
import numpy as np


def gcn_conv(x, edge_index, W, b):
    N = x.shape[0]
    loop = jnp.arange(N, dtype=edge_index.dtype)
    src = jnp.concatenate([edge_index[0], loop])
    dst = jnp.concatenate([edge_index[1], loop])
    deg = jnp.zeros((N,), dtype=x.dtype).at[dst].add(1.0)
    dinv = jnp.where(deg > 0, jax.lax.rsqrt(jnp.maximum(deg, 1e-12)), 0.0)
    coef = dinv[src] * dinv[dst]
    xw = x @ W
    msg = xw[src] * coef[:, None]
    out = jnp.zeros((N, W.shape[1]), dtype=x.dtype).at[dst].add(msg)
    return out + b


def setup_inputs(seed: int = 0) -> dict:
    key = jax.random.key(seed)
    ks = jax.random.split(key, 8)
    N, E, d_in, d_h, d_out = 10000, 320000, 128, 128, 1
    x = jax.random.normal(ks[0], (N, d_in), dtype=jnp.float32)
    edge_index = jax.random.randint(ks[1], (2, E), 0, N)
    W1 = jax.random.normal(ks[2], (d_in, d_h), dtype=jnp.float32) * 0.05
    b1 = jnp.zeros((d_h,), dtype=jnp.float32)
    W2 = jax.random.normal(ks[3], (d_h, d_h), dtype=jnp.float32) * 0.05
    b2 = jnp.zeros((d_h,), dtype=jnp.float32)
    W3 = jax.random.normal(ks[4], (d_h, d_out), dtype=jnp.float32) * 0.05
    b3 = jnp.zeros((d_out,), dtype=jnp.float32)
    return {"x": x, "edge_index": edge_index, "W1": W1, "b1": b1, "W2": W2, "b2": b2, "W3": W3, "b3": b3}


def reference(x, edge_index, W1, b1, W2, b2, W3, b3):
    h = jax.nn.relu(gcn_conv(x, edge_index, W1, b1))
    h = jax.nn.relu(gcn_conv(h, edge_index, W2, b2))
    h = jax.nn.relu(h @ W3 + b3)
    # global_mean_pool with an all-zeros batch vector -> mean over all nodes into one graph
    return jnp.mean(h, axis=0, keepdims=True)

if __name__ == "__main__":
    import jax
    _d = setup_inputs()
    print(jax.jit(kernel)(*tuple(_d.values())))

</pallas_src>

<mosaic_0001>
#map = affine_map<(d0, d1) -> (0, 0)>
#map1 = affine_map<(d0, d1) -> (0, 0, 0)>
module attributes {stable_mosaic.version = 14 : i64} {
  func.func @k(%arg0: i32, %arg1: i32, %arg2: memref<2560x128xi32, #tpu.memory_space<hbm>>, %arg3: memref<10240x16xf32, #tpu.memory_space<hbm>>, %arg4: memref<2x10240x16xf32, #tpu.memory_space<hbm>>, %arg5: memref<80x128xi32, #tpu.memory_space<vmem>>, %arg6: memref<128x16xf32, #tpu.memory_space<vmem>>, %arg7: memref<10240x16xf32, #tpu.memory_space<vmem_shared>>) attributes {dimension_semantics = [#tpu.dimension_semantics<core_parallel>, #tpu.dimension_semantics<subcore_parallel>], iteration_bounds = array<i64: 2, 16>, scalar_prefetch = 0 : i64, scratch_operands = 3 : i64, tpu.core_type = #tpu.core_type<sc_vector_subcore>, window_params = [{transform_indices = #map}, {transform_indices = #map}, {transform_indices = #map1}]} {
    %mul3A = arith.constant 2 : i32
    %mul3A_0 = arith.muli %arg1, %mul3A : i32
    %add3A = arith.addi %mul3A_0, %arg0 : i32
    %scan3A = arith.constant 0 : i32
    %scan3A_1 = arith.constant 0 : i32
    %scan3A_2 = arith.constant 128 : i32
    %scan3A_3 = arith.addi %scan3A_1, %scan3A_2 : i32
    %scan3A_4 = arith.constant 1 : i32
    %scan3A_5 = scf.for %scan3A_19 = %scan3A_1 to %scan3A_3 step %scan3A_4 iter_args(%scan3A_20 = %scan3A) -> (i32)  : i32 {
      %broadcast_in_dim3A = arith.constant 1.000000e+00 : f32
      %broadcast_in_dim3A_21 = vector.broadcast %broadcast_in_dim3A : f32 to vector<16xf32>
      %swap3A = arith.index_cast %scan3A_19 : i32 to index
      %swap3A_22 = arith.constant 0 : index
      %swap3A_23 = tpu.vector_load %arg6[%swap3A, %swap3A_22] {strides = array<i32>} : memref<128x16xf32, #tpu.memory_space<vmem>>, vector<1x16xf32>,
      %swap3A_24 = vector.shape_cast %swap3A_23 : vector<1x16xf32> to vector<16xf32>
      %swap3A_25 = vector.shape_cast %broadcast_in_dim3A_21 : vector<16xf32> to vector<1x16xf32>
      tpu.vector_store %arg6[%swap3A, %swap3A_22], %swap3A_25 {strides = array<i32>} : memref<128x16xf32, #tpu.memory_space<vmem>>, vector<1x16xf32>,
      %scan3A_26 = arith.constant 0 : i32
      scf.yield %scan3A_26 : i32
    }
    %scan3A_6 = arith.constant 128 : i32
    %mul3A_7 = arith.constant 640 : i32
    %mul3A_8 = arith.muli %arg1, %mul3A_7 : i32
    "tpu.region"() ({
      %run_scoped3A = tpu.sem_alloc : memref<!tpu.dma_semaphore, #tpu.memory_space<semaphore_mem>>
      %dma_start3A = arith.constant 0 : i32
      %dma_start3A_19 = tpu.memref_slice %arg7[%mul3A_8, %dma_start3A] : memref<10240x16xf32, #tpu.memory_space<vmem_shared>> -> memref<640x16xf32, #tpu.memory_space<vmem_shared>>
      %dma_start3A_20 = arith.constant 0 : i32
      %dma_start3A_21 = tpu.memref_slice %arg3[%mul3A_8, %dma_start3A_20] : memref<10240x16xf32, #tpu.memory_space<hbm>> -> memref<640x16xf32, #tpu.memory_space<hbm>>
      tpu.enqueue_dma source(%dma_start3A_21 : memref<640x16xf32, #tpu.memory_space<hbm>>) target(%dma_start3A_19 : memref<640x16xf32, #tpu.memory_space<vmem_shared>>) target_semaphore(%run_scoped3A : memref<!tpu.dma_semaphore, #tpu.memory_space<semaphore_mem>>)
      %dma_wait3A = arith.constant 0 : i32
      %dma_wait3A_22 = tpu.memref_slice %arg7[%mul3A_8, %dma_wait3A] : memref<10240x16xf32, #tpu.memory_space<vmem_shared>> -> memref<640x16xf32, #tpu.memory_space<vmem_shared>>
      %dma_wait3A_23 = arith.constant 0 : i32
      %dma_wait3A_24 = tpu.memref_slice %arg3[%mul3A_8, %dma_wait3A_23] : memref<10240x16xf32, #tpu.memory_space<hbm>> -> memref<640x16xf32, #tpu.memory_space<hbm>>
      tpu.wait_dma2 semaphore(%run_scoped3A : memref<!tpu.dma_semaphore, #tpu.memory_space<semaphore_mem>>) src(%dma_wait3A_24 : memref<640x16xf32, #tpu.memory_space<hbm>>) dst(%dma_wait3A_22 : memref<640x16xf32, #tpu.memory_space<vmem_shared>>)
      tpu.yield
    }) : () -> ()
    %mul3A_9 = arith.constant 80 : i32
    %mul3A_10 = arith.muli %add3A, %mul3A_9 : i32
    "tpu.region"() ({
      %run_scoped3A = tpu.sem_alloc : memref<!tpu.dma_semaphore, #tpu.memory_space<semaphore_mem>>
      %dma_start3A = arith.constant 0 : i32
      %dma_start3A_19 = tpu.memref_slice %arg2[%mul3A_10, %dma_start3A] : memref<2560x128xi32, #tpu.memory_space<hbm>> -> memref<80x128xi32, #tpu.memory_space<hbm>>
      %dma_start3A_20 = arith.constant 0 : i32
      %dma_start3A_21 = tpu.memref_slice %arg2[%mul3A_10, %dma_start3A_20] : memref<2560x128xi32, #tpu.memory_space<hbm>> -> memref<80x128xi32, #tpu.memory_space<hbm>>
      tpu.enqueue_dma source(%dma_start3A_21 : memref<80x128xi32, #tpu.memory_space<hbm>>) target(%arg5 : memref<80x128xi32, #tpu.memory_space<vmem>>) target_semaphore(%run_scoped3A : memref<!tpu.dma_semaphore, #tpu.memory_space<semaphore_mem>>)
      %dma_wait3A = arith.constant 0 : i32
      %dma_wait3A_22 = tpu.memref_slice %arg2[%mul3A_10, %dma_wait3A] : memref<2560x128xi32, #tpu.memory_space<hbm>> -> memref<80x128xi32, #tpu.memory_space<hbm>>
      %dma_wait3A_23 = arith.constant 0 : i32
      %dma_wait3A_24 = tpu.memref_slice %arg2[%mul3A_10, %dma_wait3A_23] : memref<2560x128xi32, #tpu.memory_space<hbm>> -> memref<80x128xi32, #tpu.memory_space<hbm>>
      tpu.wait_dma2 semaphore(%run_scoped3A : memref<!tpu.dma_semaphore, #tpu.memory_space<semaphore_mem>>) src(%dma_wait3A_24 : memref<80x128xi32, #tpu.memory_space<hbm>>) dst(%arg5 : memref<80x128xi32, #tpu.memory_space<vmem>>)
      tpu.yield
    }) : () -> ()
    %barrier3A = arith.constant 0 : index
    tpu.barrier barrier_id(%barrier3A)
    %scan3A_11 = arith.constant 0 : i32
    %scan3A_12 = arith.constant 0 : i32
    %scan3A_13 = arith.constant 80 : i32
    %scan3A_14 = arith.addi %scan3A_12, %scan3A_13 : i32
    %scan3A_15 = arith.constant 1 : i32
    %scan3A_16 = scf.for %scan3A_19 = %scan3A_12 to %scan3A_14 step %scan3A_15 iter_args(%scan3A_20 = %scan3A_11) -> (i32)  : i32 {
      "tpu.region"() ({
        %run_scoped3A = tpu.sem_alloc : memref<!tpu.dma_semaphore, #tpu.memory_space<semaphore_mem>>
        %dma_start3A = arith.constant 0 : i32
        %dma_start3A_22 = tpu.memref_slice %arg5[%scan3A_19, %dma_start3A] : memref<80x128xi32, #tpu.memory_space<vmem>> -> memref<1x128xi32, #tpu.memory_space<vmem>>
        %dma_start3A_23 = tpu.memref_squeeze %dma_start3A_22 : memref<1x128xi32, #tpu.memory_space<vmem>> -> memref<128xi32, #tpu.memory_space<vmem>>
        %dma_start3A_24 = arith.constant 0 : i32
        %dma_start3A_25 = arith.constant 0 : i32
        %dma_start3A_26 = tpu.memref_slice %arg7[%dma_start3A_24, %dma_start3A_25] : memref<10240x16xf32, #tpu.memory_space<vmem_shared>> -> memref<10240x16xf32, #tpu.memory_space<vmem_shared>>
        tpu.enqueue_indirect_dma source(%arg6 : memref<128x16xf32, #tpu.memory_space<vmem>>) target(%dma_start3A_26 : memref<10240x16xf32, #tpu.memory_space<vmem_shared>>) offsets(%dma_start3A_23 : memref<128xi32, #tpu.memory_space<vmem>>) semaphore(%run_scoped3A : memref<!tpu.dma_semaphore, #tpu.memory_space<semaphore_mem>>) {add = true}
        %dma_wait3A = arith.constant 0 : i32
        %dma_wait3A_27 = tpu.memref_slice %arg5[%scan3A_19, %dma_wait3A] : memref<80x128xi32, #tpu.memory_space<vmem>> -> memref<1x128xi32, #tpu.memory_space<vmem>>
        %dma_wait3A_28 = tpu.memref_squeeze %dma_wait3A_27 : memref<1x128xi32, #tpu.memory_space<vmem>> -> memref<128xi32, #tpu.memory_space<vmem>>
        %dma_wait3A_29 = arith.constant 0 : i32
        %dma_wait3A_30 = arith.constant 0 : i32
        %dma_wait3A_31 = tpu.memref_slice %arg7[%dma_wait3A_29, %dma_wait3A_30] : memref<10240x16xf32, #tpu.memory_space<vmem_shared>> -> memref<10240x16xf32, #tpu.memory_space<vmem_shared>>
        tpu.wait_indirect_dma semaphore(%run_scoped3A : memref<!tpu.dma_semaphore, #tpu.memory_space<semaphore_mem>>) src(%arg6 : memref<128x16xf32, #tpu.memory_space<vmem>>) dst(%dma_wait3A_31 : memref<10240x16xf32, #tpu.memory_space<vmem_shared>>)
        tpu.yield
      }) : () -> ()
      %scan3A_21 = arith.constant 0 : i32
      scf.yield %scan3A_21 : i32
    }
    %scan3A_17 = arith.constant 80 : i32
    %barrier3A_18 = arith.constant 0 : index
    tpu.barrier barrier_id(%barrier3A_18)
    "tpu.region"() ({
      %run_scoped3A = tpu.sem_alloc : memref<!tpu.dma_semaphore, #tpu.memory_space<semaphore_mem>>
      %dma_start3A = arith.constant 0 : i32
      %dma_start3A_19 = tpu.memref_slice %arg4[%arg0, %mul3A_8, %dma_start3A] : memref<2x10240x16xf32, #tpu.memory_space<hbm>> -> memref<1x640x16xf32, #tpu.memory_space<hbm>>
      %dma_start3A_20 = tpu.memref_squeeze %dma_start3A_19 : memref<1x640x16xf32, #tpu.memory_space<hbm>> -> memref<640x16xf32, #tpu.memory_space<hbm>>
      %dma_start3A_21 = arith.constant 0 : i32
      %dma_start3A_22 = tpu.memref_slice %arg7[%mul3A_8, %dma_start3A_21] : memref<10240x16xf32, #tpu.memory_space<vmem_shared>> -> memref<640x16xf32, #tpu.memory_space<vmem_shared>>
      tpu.enqueue_dma source(%dma_start3A_22 : memref<640x16xf32, #tpu.memory_space<vmem_shared>>) target(%dma_start3A_20 : memref<640x16xf32, #tpu.memory_space<hbm>>) target_semaphore(%run_scoped3A : memref<!tpu.dma_semaphore, #tpu.memory_space<semaphore_mem>>)
      %dma_wait3A = arith.constant 0 : i32
      %dma_wait3A_23 = tpu.memref_slice %arg4[%arg0, %mul3A_8, %dma_wait3A] : memref<2x10240x16xf32, #tpu.memory_space<hbm>> -> memref<1x640x16xf32, #tpu.memory_space<hbm>>
      %dma_wait3A_24 = tpu.memref_squeeze %dma_wait3A_23 : memref<1x640x16xf32, #tpu.memory_space<hbm>> -> memref<640x16xf32, #tpu.memory_space<hbm>>
      %dma_wait3A_25 = arith.constant 0 : i32
      %dma_wait3A_26 = tpu.memref_slice %arg7[%mul3A_8, %dma_wait3A_25] : memref<10240x16xf32, #tpu.memory_space<vmem_shared>> -> memref<640x16xf32, #tpu.memory_space<vmem_shared>>
      tpu.wait_dma2 semaphore(%run_scoped3A : memref<!tpu.dma_semaphore, #tpu.memory_space<semaphore_mem>>) src(%dma_wait3A_26 : memref<640x16xf32, #tpu.memory_space<vmem_shared>>) dst(%dma_wait3A_24 : memref<640x16xf32, #tpu.memory_space<hbm>>)
      tpu.yield
    }) : () -> ()
    return
  }
}

#map = affine_map<(d0, d1) -> (0, 0)>
#map1 = affine_map<(d0, d1) -> (0, 0, 0)>
module attributes {stable_mosaic.version = 14 : i64} {
  func.func @k(%arg0: i32, %arg1: i32, %arg2: memref<10240x128xf32, #tpu.memory_space<hbm>>, %arg3: memref<2560x128xi32, #tpu.memory_space<hbm>>, %arg4: memref<2560x128xi32, #tpu.memory_space<hbm>>, %arg5: memref<10240x128xf32, #tpu.memory_space<hbm>>, %arg6: memref<2x10240x128xf32, #tpu.memory_space<hbm>>, %arg7: memref<40x128xi32, #tpu.memory_space<vmem>>, %arg8: memref<40x128xi32, #tpu.memory_space<vmem>>, %arg9: memref<128x128xf32, #tpu.memory_space<vmem>>, %arg10: memref<128x128xf32, #tpu.memory_space<vmem>>, %arg11: memref<!tpu.dma_semaphore, #tpu.memory_space<semaphore_mem>>, %arg12: memref<!tpu.dma_semaphore, #tpu.memory_space<semaphore_mem>>, %arg13: memref<10240x128xf32, #tpu.memory_space<vmem_shared>>) attributes {dimension_semantics = [#tpu.dimension_semantics<core_parallel>, #tpu.dimension_semantics<subcore_parallel>], iteration_bounds = array<i64: 2, 16>, scalar_prefetch = 0 : i64, scratch_operands = 7 : i64, tpu.core_type = #tpu.core_type<sc_vector_subcore>, window_params = [{transform_indices = #map}, {transform_indices = #map}, {transform_indices = #map}, {transform_indices = #map}, {transform_indices = #map1}]} {
    %mul3A = arith.constant 2 : i32
    %mul3A_0 = arith.muli %arg1, %mul3A : i32
    %add3A = arith.addi %mul3A_0, %arg0 : i32
    %mul3A_1 = arith.constant 640 : i32
    %mul3A_2 = arith.muli %arg1, %mul3A_1 : i32
    "tpu.region"() ({
      %run_scoped3A = tpu.sem_alloc : memref<!tpu.dma_semaphore, #tpu.memory_space<semaphore_mem>>
      %dma_start3A_38 = arith.constant 0 : i32
      %dma_start3A_39 = tpu.memref_slice %arg13[%mul3A_2, %dma_start3A_38] : memref<10240x128xf32, #tpu.memory_space<vmem_shared>> -> memref<640x128xf32, #tpu.memory_space<vmem_shared>>
      %dma_start3A_40 = arith.constant 0 : i32
      %dma_start3A_41 = tpu.memref_slice %arg5[%mul3A_2, %dma_start3A_40] : memref<10240x128xf32, #tpu.memory_space<hbm>> -> memref<640x128xf32, #tpu.memory_space<hbm>>
      tpu.enqueue_dma source(%dma_start3A_41 : memref<640x128xf32, #tpu.memory_space<hbm>>) target(%dma_start3A_39 : memref<640x128xf32, #tpu.memory_space<vmem_shared>>) target_semaphore(%run_scoped3A : memref<!tpu.dma_semaphore, #tpu.memory_space<semaphore_mem>>)
      %dma_wait3A = arith.constant 0 : i32
      %dma_wait3A_42 = tpu.memref_slice %arg13[%mul3A_2, %dma_wait3A] : memref<10240x128xf32, #tpu.memory_space<vmem_shared>> -> memref<640x128xf32, #tpu.memory_space<vmem_shared>>
      %dma_wait3A_43 = arith.constant 0 : i32
      %dma_wait3A_44 = tpu.memref_slice %arg5[%mul3A_2, %dma_wait3A_43] : memref<10240x128xf32, #tpu.memory_space<hbm>> -> memref<640x128xf32, #tpu.memory_space<hbm>>
      tpu.wait_dma2 semaphore(%run_scoped3A : memref<!tpu.dma_semaphore, #tpu.memory_space<semaphore_mem>>) src(%dma_wait3A_44 : memref<640x128xf32, #tpu.memory_space<hbm>>) dst(%dma_wait3A_42 : memref<640x128xf32, #tpu.memory_space<vmem_shared>>)
      tpu.yield
    }) : () -> ()
    %barrier3A = arith.constant 0 : index
    tpu.barrier barrier_id(%barrier3A)
    %mul3A_3 = arith.constant 80 : i32
    %mul3A_4 = arith.muli %add3A, %mul3A_3 : i32
    %add3A_5 = arith.constant 0 : i32
    %add3A_6 = arith.addi %mul3A_4, %add3A_5 : i32
    "tpu.region"() ({
      %run_scoped3A = tpu.sem_alloc : memref<!tpu.dma_semaphore, #tpu.memory_space<semaphore_mem>>
      %dma_start3A_38 = arith.constant 0 : i32
      %dma_start3A_39 = tpu.memref_slice %arg3[%add3A_6, %dma_start3A_38] : memref<2560x128xi32, #tpu.memory_space<hbm>> -> memref<40x128xi32, #tpu.memory_space<hbm>>
      %dma_start3A_40 = arith.constant 0 : i32
      %dma_start3A_41 = tpu.memref_slice %arg3[%add3A_6, %dma_start3A_40] : memref<2560x128xi32, #tpu.memory_space<hbm>> -> memref<40x128xi32, #tpu.memory_space<hbm>>
      tpu.enqueue_dma source(%dma_start3A_41 : memref<40x128xi32, #tpu.memory_space<hbm>>) target(%arg7 : memref<40x128xi32, #tpu.memory_space<vmem>>) target_semaphore(%run_scoped3A : memref<!tpu.dma_semaphore, #tpu.memory_space<semaphore_mem>>)
      %dma_wait3A = arith.constant 0 : i32
      %dma_wait3A_42 = tpu.memref_slice %arg3[%add3A_6, %dma_wait3A] : memref<2560x128xi32, #tpu.memory_space<hbm>> -> memref<40x128xi32, #tpu.memory_space<hbm>>
      %dma_wait3A_43 = arith.constant 0 : i32
      %dma_wait3A_44 = tpu.memref_slice %arg3[%add3A_6, %dma_wait3A_43] : memref<2560x128xi32, #tpu.memory_space<hbm>> -> memref<40x128xi32, #tpu.memory_space<hbm>>
      tpu.wait_dma2 semaphore(%run_scoped3A : memref<!tpu.dma_semaphore, #tpu.memory_space<semaphore_mem>>) src(%dma_wait3A_44 : memref<40x128xi32, #tpu.memory_space<hbm>>) dst(%arg7 : memref<40x128xi32, #tpu.memory_space<vmem>>)
      tpu.yield
    }) : () -> ()
    "tpu.region"() ({
      %run_scoped3A = tpu.sem_alloc : memref<!tpu.dma_semaphore, #tpu.memory_space<semaphore_mem>>
      %dma_start3A_38 = arith.constant 0 : i32
      %dma_start3A_39 = tpu.memref_slice %arg4[%add3A_6, %dma_start3A_38] : memref<2560x128xi32, #tpu.memory_space<hbm>> -> memref<40x128xi32, #tpu.memory_space<hbm>>
      %dma_start3A_40 = arith.constant 0 : i32
      %dma_start3A_41 = tpu.memref_slice %arg4[%add3A_6, %dma_start3A_40] : memref<2560x128xi32, #tpu.memory_space<hbm>> -> memref<40x128xi32, #tpu.memory_space<hbm>>
      tpu.enqueue_dma source(%dma_start3A_41 : memref<40x128xi32, #tpu.memory_space<hbm>>) target(%arg8 : memref<40x128xi32, #tpu.memory_space<vmem>>) target_semaphore(%run_scoped3A : memref<!tpu.dma_semaphore, #tpu.memory_space<semaphore_mem>>)
      %dma_wait3A = arith.constant 0 : i32
      %dma_wait3A_42 = tpu.memref_slice %arg4[%add3A_6, %dma_wait3A] : memref<2560x128xi32, #tpu.memory_space<hbm>> -> memref<40x128xi32, #tpu.memory_space<hbm>>
      %dma_wait3A_43 = arith.constant 0 : i32
      %dma_wait3A_44 = tpu.memref_slice %arg4[%add3A_6, %dma_wait3A_43] : memref<2560x128xi32, #tpu.memory_space<hbm>> -> memref<40x128xi32, #tpu.memory_space<hbm>>
      tpu.wait_dma2 semaphore(%run_scoped3A : memref<!tpu.dma_semaphore, #tpu.memory_space<semaphore_mem>>) src(%dma_wait3A_44 : memref<40x128xi32, #tpu.memory_space<hbm>>) dst(%arg8 : memref<40x128xi32, #tpu.memory_space<vmem>>)
      tpu.yield
    }) : () -> ()
    %dma_start3A = arith.constant 0 : i32
    %dma_start3A_7 = arith.constant 0 : i32
    %dma_start3A_8 = tpu.memref_slice %arg7[%dma_start3A, %dma_start3A_7] : memref<40x128xi32, #tpu.memory_space<vmem>> -> memref<1x128xi32, #tpu.memory_space<vmem>>
    %dma_start3A_9 = tpu.memref_squeeze %dma_start3A_8 : memref<1x128xi32, #tpu.memory_space<vmem>> -> memref<128xi32, #tpu.memory_space<vmem>>
    %dma_start3A_10 = arith.constant 0 : i32
    %dma_start3A_11 = arith.constant 0 : i32
    %dma_start3A_12 = tpu.memref_slice %arg2[%dma_start3A_10, %dma_start3A_11] : memref<10240x128xf32, #tpu.memory_space<hbm>> -> memref<10240x128xf32, #tpu.memory_space<hbm>>
    tpu.enqueue_indirect_dma source(%dma_start3A_12 : memref<10240x128xf32, #tpu.memory_space<hbm>>) target(%arg9 : memref<128x128xf32, #tpu.memory_space<vmem>>) offsets(%dma_start3A_9 : memref<128xi32, #tpu.memory_space<vmem>>) semaphore(%arg11 : memref<!tpu.dma_semaphore, #tpu.memory_space<semaphore_mem>>)
    %scan3A = arith.constant 0 : i32
    %scan3A_13 = arith.constant 0 : i32
    %scan3A_14 = arith.constant 20 : i32
    %scan3A_15 = arith.addi %scan3A_13, %scan3A_14 : i32
    %scan3A_16 = arith.constant 1 : i32
    %scan3A_17 = scf.for %scan3A_38 = %scan3A_13 to %scan3A_15 step %scan3A_16 iter_args(%scan3A_39 = %scan3A) -> (i32)  : i32 {
      %mul3A_40 = arith.constant 2 : i32
      %mul3A_41 = arith.muli %scan3A_38, %mul3A_40 : i32
      %add3A_42 = arith.constant 1 : i32
      %add3A_43 = arith.addi %mul3A_41, %add3A_42 : i32
      %dma_start3A_44 = arith.constant 0 : i32
      %dma_start3A_45 = tpu.memref_slice %arg7[%add3A_43, %dma_start3A_44] : memref<40x128xi32, #tpu.memory_space<vmem>> -> memref<1x128xi32, #tpu.memory_space<vmem>>
      %dma_start3A_46 = tpu.memref_squeeze %dma_start3A_45 : memref<1x128xi32, #tpu.memory_space<vmem>> -> memref<128xi32, #tpu.memory_space<vmem>>
      %dma_start3A_47 = arith.constant 0 : i32
      %dma_start3A_48 = arith.constant 0 : i32
      %dma_start3A_49 = tpu.memref_slice %arg2[%dma_start3A_47, %dma_start3A_48] : memref<10240x128xf32, #tpu.memory_space<hbm>> -> memref<10240x128xf32, #tpu.memory_space<hbm>>
      tpu.enqueue_indirect_dma source(%dma_start3A_49 : memref<10240x128xf32, #tpu.memory_space<hbm>>) target(%arg10 : memref<128x128xf32, #tpu.memory_space<vmem>>) offsets(%dma_start3A_46 : memref<128xi32, #tpu.memory_space<vmem>>) semaphore(%arg12 : memref<!tpu.dma_semaphore, #tpu.memory_space<semaphore_mem>>)
      %dma_wait3A = arith.constant 0 : i32
      %dma_wait3A_50 = tpu.memref_slice %arg7[%mul3A_41, %dma_wait3A] : memref<40x128xi32, #tpu.memory_space<vmem>> -> memref<1x128xi32, #tpu.memory_space<vmem>>
      %dma_wait3A_51 = tpu.memref_squeeze %dma_wait3A_50 : memref<1x128xi32, #tpu.memory_space<vmem>> -> memref<128xi32, #tpu.memory_space<vmem>>
      %dma_wait3A_52 = arith.constant 0 : i32
      %dma_wait3A_53 = arith.constant 0 : i32
      %dma_wait3A_54 = tpu.memref_slice %arg2[%dma_wait3A_52, %dma_wait3A_53] : memref<10240x128xf32, #tpu.memory_space<hbm>> -> memref<10240x128xf32, #tpu.memory_space<hbm>>
      tpu.wait_indirect_dma semaphore(%arg11 : memref<!tpu.dma_semaphore, #tpu.memory_space<semaphore_mem>>) src(%dma_wait3A_54 : memref<10240x128xf32, #tpu.memory_space<hbm>>) dst(%arg9 : memref<128x128xf32, #tpu.memory_space<vmem>>)
      "tpu.region"() ({
        %run_scoped3A = tpu.sem_alloc : memref<!tpu.dma_semaphore, #tpu.memory_space<semaphore_mem>>
        %dma_start3A_70 = arith.constant 0 : i32
        %dma_start3A_71 = tpu.memref_slice %arg8[%mul3A_41, %dma_start3A_70] : memref<40x128xi32, #tpu.memory_space<vmem>> -> memref<1x128xi32, #tpu.memory_space<vmem>>
        %dma_start3A_72 = tpu.memref_squeeze %dma_start3A_71 : memref<1x128xi32, #tpu.memory_space<vmem>> -> memref<128xi32, #tpu.memory_space<vmem>>
        %dma_start3A_73 = arith.constant 0 : i32
        %dma_start3A_74 = arith.constant 0 : i32
        %dma_start3A_75 = tpu.memref_slice %arg13[%dma_start3A_73, %dma_start3A_74] : memref<10240x128xf32, #tpu.memory_space<vmem_shared>> -> memref<10240x128xf32, #tpu.memory_space<vmem_shared>>
        tpu.enqueue_indirect_dma source(%arg9 : memref<128x128xf32, #tpu.memory_space<vmem>>) target(%dma_start3A_75 : memref<10240x128xf32, #tpu.memory_space<vmem_shared>>) offsets(%dma_start3A_72 : memref<128xi32, #tpu.memory_space<vmem>>) semaphore(%run_scoped3A : memref<!tpu.dma_semaphore, #tpu.memory_space<semaphore_mem>>) {add = true}
        %dma_wait3A_76 = arith.constant 0 : i32
        %dma_wait3A_77 = tpu.memref_slice %arg8[%mul3A_41, %dma_wait3A_76] : memref<40x128xi32, #tpu.memory_space<vmem>> -> memref<1x128xi32, #tpu.memory_space<vmem>>
        %dma_wait3A_78 = tpu.memref_squeeze %dma_wait3A_77 : memref<1x128xi32, #tpu.memory_space<vmem>> -> memref<128xi32, #tpu.memory_space<vmem>>
        %dma_wait3A_79 = arith.constant 0 : i32
        %dma_wait3A_80 = arith.constant 0 : i32
        %dma_wait3A_81 = tpu.memref_slice %arg13[%dma_wait3A_79, %dma_wait3A_80] : memref<10240x128xf32, #tpu.memory_space<vmem_shared>> -> memref<10240x128xf32, #tpu.memory_space<vmem_shared>>
        tpu.wait_indirect_dma semaphore(%run_scoped3A : memref<!tpu.dma_semaphore, #tpu.memory_space<semaphore_mem>>) src(%arg9 : memref<128x128xf32, #tpu.memory_space<vmem>>) dst(%dma_wait3A_81 : memref<10240x128xf32, #tpu.memory_space<vmem_shared>>)
        tpu.yield
      }) : () -> ()
      %add3A_55 = arith.constant 2 : i32
      %add3A_56 = arith.addi %mul3A_41, %add3A_55 : i32
      %lt3A = arith.constant 40 : i32
      %lt3A_57 = arith.cmpi slt, %add3A_56, %lt3A : i32
      %convert_element_type3A = arith.extui %lt3A_57 : i1 to i32
      %cond3A = arith.constant 0 : i32
      %cond3A_58 = arith.cmpi ne, %convert_element_type3A, %cond3A : i32
      scf.if %cond3A_58 {
        %add3A_70 = arith.constant 2 : i32
        %add3A_71 = arith.addi %mul3A_41, %add3A_70 : i32
        %dma_start3A_72 = arith.constant 0 : i32
        %dma_start3A_73 = tpu.memref_slice %arg7[%add3A_71, %dma_start3A_72] : memref<40x128xi32, #tpu.memory_space<vmem>> -> memref<1x128xi32, #tpu.memory_space<vmem>>
        %dma_start3A_74 = tpu.memref_squeeze %dma_start3A_73 : memref<1x128xi32, #tpu.memory_space<vmem>> -> memref<128xi32, #tpu.memory_space<vmem>>
        %dma_start3A_75 = arith.constant 0 : i32
        %dma_start3A_76 = arith.constant 0 : i32
        %dma_start3A_77 = tpu.memref_slice %arg2[%dma_start3A_75, %dma_start3A_76] : memref<10240x128xf32, #tpu.memory_space<hbm>> -> memref<10240x128xf32, #tpu.memory_space<hbm>>
        tpu.enqueue_indirect_dma source(%dma_start3A_77 : memref<10240x128xf32, #tpu.memory_space<hbm>>) target(%arg9 : memref<128x128xf32, #tpu.memory_space<vmem>>) offsets(%dma_start3A_74 : memref<128xi32, #tpu.memory_space<vmem>>) semaphore(%arg11 : memref<!tpu.dma_semaphore, #tpu.memory_space<semaphore_mem>>)
      } else {
      }
      %add3A_59 = arith.constant 1 : i32
      %add3A_60 = arith.addi %mul3A_41, %add3A_59 : i32
      %dma_wait3A_61 = arith.constant 0 : i32
      %dma_wait3A_62 = tpu.memref_slice %arg7[%add3A_60, %dma_wait3A_61] : memref<40x128xi32, #tpu.memory_space<vmem>> -> memref<1x128xi32, #tpu.memory_space<vmem>>
      %dma_wait3A_63 = tpu.memref_squeeze %dma_wait3A_62 : memref<1x128xi32, #tpu.memory_space<vmem>> -> memref<128xi32, #tpu.memory_space<vmem>>
      %dma_wait3A_64 = arith.constant 0 : i32
      %dma_wait3A_65 = arith.constant 0 : i32
      %dma_wait3A_66 = tpu.memref_slice %arg2[%dma_wait3A_64, %dma_wait3A_65] : memref<10240x128xf32, #tpu.memory_space<hbm>> -> memref<10240x128xf32, #tpu.memory_space<hbm>>
      tpu.wait_indirect_dma semaphore(%arg12 : memref<!tpu.dma_semaphore, #tpu.memory_space<semaphore_mem>>) src(%dma_wait3A_66 : memref<10240x128xf32, #tpu.memory_space<hbm>>) dst(%arg10 : memref<128x128xf32, #tpu.memory_space<vmem>>)
      %add3A_67 = arith.constant 1 : i32
      %add3A_68 = arith.addi %mul3A_41, %add3A_67 : i32
      "tpu.region"() ({
        %run_scoped3A = tpu.sem_alloc : memref<!tpu.dma_semaphore, #tpu.memory_space<semaphore_mem>>
        %dma_start3A_70 = arith.constant 0 : i32
        %dma_start3A_71 = tpu.memref_slice %arg8[%add3A_68, %dma_start3A_70] : memref<40x128xi32, #tpu.memory_space<vmem>> -> memref<1x128xi32, #tpu.memory_space<vmem>>
        %dma_start3A_72 = tpu.memref_squeeze %dma_start3A_71 : memref<1x128xi32, #tpu.memory_space<vmem>> -> memref<128xi32, #tpu.memory_space<vmem>>
        %dma_start3A_73 = arith.constant 0 : i32
        %dma_start3A_74 = arith.constant 0 : i32
        %dma_start3A_75 = tpu.memref_slice %arg13[%dma_start3A_73, %dma_start3A_74] : memref<10240x128xf32, #tpu.memory_space<vmem_shared>> -> memref<10240x128xf32, #tpu.memory_space<vmem_shared>>
        tpu.enqueue_indirect_dma source(%arg10 : memref<128x128xf32, #tpu.memory_space<vmem>>) target(%dma_start3A_75 : memref<10240x128xf32, #tpu.memory_space<vmem_shared>>) offsets(%dma_start3A_72 : memref<128xi32, #tpu.memory_space<vmem>>) semaphore(%run_scoped3A : memref<!tpu.dma_semaphore, #tpu.memory_space<semaphore_mem>>) {add = true}
        %dma_wait3A_76 = arith.constant 0 : i32
        %dma_wait3A_77 = tpu.memref_slice %arg8[%add3A_68, %dma_wait3A_76] : memref<40x128xi32, #tpu.memory_space<vmem>> -> memref<1x128xi32, #tpu.memory_space<vmem>>
        %dma_wait3A_78 = tpu.memref_squeeze %dma_wait3A_77 : memref<1x128xi32, #tpu.memory_space<vmem>> -> memref<128xi32, #tpu.memory_space<vmem>>
        %dma_wait3A_79 = arith.constant 0 : i32
        %dma_wait3A_80 = arith.constant 0 : i32
        %dma_wait3A_81 = tpu.memref_slice %arg13[%dma_wait3A_79, %dma_wait3A_80] : memref<10240x128xf32, #tpu.memory_space<vmem_shared>> -> memref<10240x128xf32, #tpu.memory_space<vmem_shared>>
        tpu.wait_indirect_dma semaphore(%run_scoped3A : memref<!tpu.dma_semaphore, #tpu.memory_space<semaphore_mem>>) src(%arg10 : memref<128x128xf32, #tpu.memory_space<vmem>>) dst(%dma_wait3A_81 : memref<10240x128xf32, #tpu.memory_space<vmem_shared>>)
        tpu.yield
      }) : () -> ()
      %scan3A_69 = arith.constant 0 : i32
      scf.yield %scan3A_69 : i32
    }
    %scan3A_18 = arith.constant 20 : i32
    %mul3A_19 = arith.constant 80 : i32
    %mul3A_20 = arith.muli %add3A, %mul3A_19 : i32
    %add3A_21 = arith.constant 40 : i32
    %add3A_22 = arith.addi %mul3A_20, %add3A_21 : i32
    "tpu.region"() ({
      %run_scoped3A = tpu.sem_alloc : memref<!tpu.dma_semaphore, #tpu.memory_space<semaphore_mem>>
      %dma_start3A_38 = arith.constant 0 : i32
      %dma_start3A_39 = tpu.memref_slice %arg3[%add3A_22, %dma_start3A_38] : memref<2560x128xi32, #tpu.memory_space<hbm>> -> memref<40x128xi32, #tpu.memory_space<hbm>>
      %dma_start3A_40 = arith.constant 0 : i32
      %dma_start3A_41 = tpu.memref_slice %arg3[%add3A_22, %dma_start3A_40] : memref<2560x128xi32, #tpu.memory_space<hbm>> -> memref<40x128xi32, #tpu.memory_space<hbm>>
      tpu.enqueue_dma source(%dma_start3A_41 : memref<40x128xi32, #tpu.memory_space<hbm>>) target(%arg7 : memref<40x128xi32, #tpu.memory_space<vmem>>) target_semaphore(%run_scoped3A : memref<!tpu.dma_semaphore, #tpu.memory_space<semaphore_mem>>)
      %dma_wait3A = arith.constant 0 : i32
      %dma_wait3A_42 = tpu.memref_slice %arg3[%add3A_22, %dma_wait3A] : memref<2560x128xi32, #tpu.memory_space<hbm>> -> memref<40x128xi32, #tpu.memory_space<hbm>>
      %dma_wait3A_43 = arith.constant 0 : i32
      %dma_wait3A_44 = tpu.memref_slice %arg3[%add3A_22, %dma_wait3A_43] : memref<2560x128xi32, #tpu.memory_space<hbm>> -> memref<40x128xi32, #tpu.memory_space<hbm>>
      tpu.wait_dma2 semaphore(%run_scoped3A : memref<!tpu.dma_semaphore, #tpu.memory_space<semaphore_mem>>) src(%dma_wait3A_44 : memref<40x128xi32, #tpu.memory_space<hbm>>) dst(%arg7 : memref<40x128xi32, #tpu.memory_space<vmem>>)
      tpu.yield
    }) : () -> ()
    "tpu.region"() ({
      %run_scoped3A = tpu.sem_alloc : memref<!tpu.dma_semaphore, #tpu.memory_space<semaphore_mem>>
      %dma_start3A_38 = arith.constant 0 : i32
      %dma_start3A_39 = tpu.memref_slice %arg4[%add3A_22, %dma_start3A_38] : memref<2560x128xi32, #tpu.memory_space<hbm>> -> memref<40x128xi32, #tpu.memory_space<hbm>>
      %dma_start3A_40 = arith.constant 0 : i32
      %dma_start3A_41 = tpu.memref_slice %arg4[%add3A_22, %dma_start3A_40] : memref<2560x128xi32, #tpu.memory_space<hbm>> -> memref<40x128xi32, #tpu.memory_space<hbm>>
      tpu.enqueue_dma source(%dma_start3A_41 : memref<40x128xi32, #tpu.memory_space<hbm>>) target(%arg8 : memref<40x128xi32, #tpu.memory_space<vmem>>) target_semaphore(%run_scoped3A : memref<!tpu.dma_semaphore, #tpu.memory_space<semaphore_mem>>)
      %dma_wait3A = arith.constant 0 : i32
      %dma_wait3A_42 = tpu.memref_slice %arg4[%add3A_22, %dma_wait3A] : memref<2560x128xi32, #tpu.memory_space<hbm>> -> memref<40x128xi32, #tpu.memory_space<hbm>>
      %dma_wait3A_43 = arith.constant 0 : i32
      %dma_wait3A_44 = tpu.memref_slice %arg4[%add3A_22, %dma_wait3A_43] : memref<2560x128xi32, #tpu.memory_space<hbm>> -> memref<40x128xi32, #tpu.memory_space<hbm>>
      tpu.wait_dma2 semaphore(%run_scoped3A : memref<!tpu.dma_semaphore, #tpu.memory_space<semaphore_mem>>) src(%dma_wait3A_44 : memref<40x128xi32, #tpu.memory_space<hbm>>) dst(%arg8 : memref<40x128xi32, #tpu.memory_space<vmem>>)
      tpu.yield
    }) : () -> ()
    %dma_start3A_23 = arith.constant 0 : i32
    %dma_start3A_24 = arith.constant 0 : i32
    %dma_start3A_25 = tpu.memref_slice %arg7[%dma_start3A_23, %dma_start3A_24] : memref<40x128xi32, #tpu.memory_space<vmem>> -> memref<1x128xi32, #tpu.memory_space<vmem>>
    %dma_start3A_26 = tpu.memref_squeeze %dma_start3A_25 : memref<1x128xi32, #tpu.memory_space<vmem>> -> memref<128xi32, #tpu.memory_space<vmem>>
    %dma_start3A_27 = arith.constant 0 : i32
    %dma_start3A_28 = arith.constant 0 : i32
    %dma_start3A_29 = tpu.memref_slice %arg2[%dma_start3A_27, %dma_start3A_28] : memref<10240x128xf32, #tpu.memory_space<hbm>> -> memref<10240x128xf32, #tpu.memory_space<hbm>>
    tpu.enqueue_indirect_dma source(%dma_start3A_29 : memref<10240x128xf32, #tpu.memory_space<hbm>>) target(%arg9 : memref<128x128xf32, #tpu.memory_space<vmem>>) offsets(%dma_start3A_26 : memref<128xi32, #tpu.memory_space<vmem>>) semaphore(%arg11 : memref<!tpu.dma_semaphore, #tpu.memory_space<semaphore_mem>>)
    %scan3A_30 = arith.constant 0 : i32
    %scan3A_31 = arith.constant 0 : i32
    %scan3A_32 = arith.constant 20 : i32
    %scan3A_33 = arith.addi %scan3A_31, %scan3A_32 : i32
    %scan3A_34 = arith.constant 1 : i32
    %scan3A_35 = scf.for %scan3A_38 = %scan3A_31 to %scan3A_33 step %scan3A_34 iter_args(%scan3A_39 = %scan3A_30) -> (i32)  : i32 {
      %mul3A_40 = arith.constant 2 : i32
      %mul3A_41 = arith.muli %scan3A_38, %mul3A_40 : i32
      %add3A_42 = arith.constant 1 : i32
      %add3A_43 = arith.addi %mul3A_41, %add3A_42 : i32
      %dma_start3A_44 = arith.constant 0 : i32
      %dma_start3A_45 = tpu.memref_slice %arg7[%add3A_43, %dma_start3A_44] : memref<40x128xi32, #tpu.memory_space<vmem>> -> memref<1x128xi32, #tpu.memory_space<vmem>>
      %dma_start3A_46 = tpu.memref_squeeze %dma_start3A_45 : memref<1x128xi32, #tpu.memory_space<vmem>> -> memref<128xi32, #tpu.memory_space<vmem>>
      %dma_start3A_47 = arith.constant 0 : i32
      %dma_start3A_48 = arith.constant 0 : i32
      %dma_start3A_49 = tpu.memref_slice %arg2[%dma_start3A_47, %dma_start3A_48] : memref<10240x128xf32, #tpu.memory_space<hbm>> -> memref<10240x128xf32, #tpu.memory_space<hbm>>
      tpu.enqueue_indirect_dma source(%dma_start3A_49 : memref<10240x128xf32, #tpu.memory_space<hbm>>) target(%arg10 : memref<128x128xf32, #tpu.memory_space<vmem>>) offsets(%dma_start3A_46 : memref<128xi32, #tpu.memory_space<vmem>>) semaphore(%arg12 : memref<!tpu.dma_semaphore, #tpu.memory_space<semaphore_mem>>)
      %dma_wait3A = arith.constant 0 : i32
      %dma_wait3A_50 = tpu.memref_slice %arg7[%mul3A_41, %dma_wait3A] : memref<40x128xi32, #tpu.memory_space<vmem>> -> memref<1x128xi32, #tpu.memory_space<vmem>>
      %dma_wait3A_51 = tpu.memref_squeeze %dma_wait3A_50 : memref<1x128xi32, #tpu.memory_space<vmem>> -> memref<128xi32, #tpu.memory_space<vmem>>
      %dma_wait3A_52 = arith.constant 0 : i32
      %dma_wait3A_53 = arith.constant 0 : i32
      %dma_wait3A_54 = tpu.memref_slice %arg2[%dma_wait3A_52, %dma_wait3A_53] : memref<10240x128xf32, #tpu.memory_space<hbm>> -> memref<10240x128xf32, #tpu.memory_space<hbm>>
      tpu.wait_indirect_dma semaphore(%arg11 : memref<!tpu.dma_semaphore, #tpu.memory_space<semaphore_mem>>) src(%dma_wait3A_54 : memref<10240x128xf32, #tpu.memory_space<hbm>>) dst(%arg9 : memref<128x128xf32, #tpu.memory_space<vmem>>)
      "tpu.region"() ({
        %run_scoped3A = tpu.sem_alloc : memref<!tpu.dma_semaphore, #tpu.memory_space<semaphore_mem>>
        %dma_start3A_70 = arith.constant 0 : i32
        %dma_start3A_71 = tpu.memref_slice %arg8[%mul3A_41, %dma_start3A_70] : memref<40x128xi32, #tpu.memory_space<vmem>> -> memref<1x128xi32, #tpu.memory_space<vmem>>
        %dma_start3A_72 = tpu.memref_squeeze %dma_start3A_71 : memref<1x128xi32, #tpu.memory_space<vmem>> -> memref<128xi32, #tpu.memory_space<vmem>>
        %dma_start3A_73 = arith.constant 0 : i32
        %dma_start3A_74 = arith.constant 0 : i32
        %dma_start3A_75 = tpu.memref_slice %arg13[%dma_start3A_73, %dma_start3A_74] : memref<10240x128xf32, #tpu.memory_space<vmem_shared>> -> memref<10240x128xf32, #tpu.memory_space<vmem_shared>>
        tpu.enqueue_indirect_dma source(%arg9 : memref<128x128xf32, #tpu.memory_space<vmem>>) target(%dma_start3A_75 : memref<10240x128xf32, #tpu.memory_space<vmem_shared>>) offsets(%dma_start3A_72 : memref<128xi32, #tpu.memory_space<vmem>>) semaphore(%run_scoped3A : memref<!tpu.dma_semaphore, #tpu.memory_space<semaphore_mem>>) {add = true}
        %dma_wait3A_76 = arith.constant 0 : i32
        %dma_wait3A_77 = tpu.memref_slice %arg8[%mul3A_41, %dma_wait3A_76] : memref<40x128xi32, #tpu.memory_space<vmem>> -> memref<1x128xi32, #tpu.memory_space<vmem>>
        %dma_wait3A_78 = tpu.memref_squeeze %dma_wait3A_77 : memref<1x128xi32, #tpu.memory_space<vmem>> -> memref<128xi32, #tpu.memory_space<vmem>>
        %dma_wait3A_79 = arith.constant 0 : i32
        %dma_wait3A_80 = arith.constant 0 : i32
        %dma_wait3A_81 = tpu.memref_slice %arg13[%dma_wait3A_79, %dma_wait3A_80] : memref<10240x128xf32, #tpu.memory_space<vmem_shared>> -> memref<10240x128xf32, #tpu.memory_space<vmem_shared>>
        tpu.wait_indirect_dma semaphore(%run_scoped3A : memref<!tpu.dma_semaphore, #tpu.memory_space<semaphore_mem>>) src(%arg9 : memref<128x128xf32, #tpu.memory_space<vmem>>) dst(%dma_wait3A_81 : memref<10240x128xf32, #tpu.memory_space<vmem_shared>>)
        tpu.yield
      }) : () -> ()
      %add3A_55 = arith.constant 2 : i32
      %add3A_56 = arith.addi %mul3A_41, %add3A_55 : i32
      %lt3A = arith.constant 40 : i32
      %lt3A_57 = arith.cmpi slt, %add3A_56, %lt3A : i32
      %convert_element_type3A = arith.extui %lt3A_57 : i1 to i32
      %cond3A = arith.constant 0 : i32
      %cond3A_58 = arith.cmpi ne, %convert_element_type3A, %cond3A : i32
      scf.if %cond3A_58 {
        %add3A_70 = arith.constant 2 : i32
        %add3A_71 = arith.addi %mul3A_41, %add3A_70 : i32
        %dma_start3A_72 = arith.constant 0 : i32
        %dma_start3A_73 = tpu.memref_slice %arg7[%add3A_71, %dma_start3A_72] : memref<40x128xi32, #tpu.memory_space<vmem>> -> memref<1x128xi32, #tpu.memory_space<vmem>>
        %dma_start3A_74 = tpu.memref_squeeze %dma_start3A_73 : memref<1x128xi32, #tpu.memory_space<vmem>> -> memref<128xi32, #tpu.memory_space<vmem>>
        %dma_start3A_75 = arith.constant 0 : i32
        %dma_start3A_76 = arith.constant 0 : i32
        %dma_start3A_77 = tpu.memref_slice %arg2[%dma_start3A_75, %dma_start3A_76] : memref<10240x128xf32, #tpu.memory_space<hbm>> -> memref<10240x128xf32, #tpu.memory_space<hbm>>
        tpu.enqueue_indirect_dma source(%dma_start3A_77 : memref<10240x128xf32, #tpu.memory_space<hbm>>) target(%arg9 : memref<128x128xf32, #tpu.memory_space<vmem>>) offsets(%dma_start3A_74 : memref<128xi32, #tpu.memory_space<vmem>>) semaphore(%arg11 : memref<!tpu.dma_semaphore, #tpu.memory_space<semaphore_mem>>)
      } else {
      }
      %add3A_59 = arith.constant 1 : i32
      %add3A_60 = arith.addi %mul3A_41, %add3A_59 : i32
      %dma_wait3A_61 = arith.constant 0 : i32
      %dma_wait3A_62 = tpu.memref_slice %arg7[%add3A_60, %dma_wait3A_61] : memref<40x128xi32, #tpu.memory_space<vmem>> -> memref<1x128xi32, #tpu.memory_space<vmem>>
      %dma_wait3A_63 = tpu.memref_squeeze %dma_wait3A_62 : memref<1x128xi32, #tpu.memory_space<vmem>> -> memref<128xi32, #tpu.memory_space<vmem>>
      %dma_wait3A_64 = arith.constant 0 : i32
      %dma_wait3A_65 = arith.constant 0 : i32
      %dma_wait3A_66 = tpu.memref_slice %arg2[%dma_wait3A_64, %dma_wait3A_65] : memref<10240x128xf32, #tpu.memory_space<hbm>> -> memref<10240x128xf32, #tpu.memory_space<hbm>>
      tpu.wait_indirect_dma semaphore(%arg12 : memref<!tpu.dma_semaphore, #tpu.memory_space<semaphore_mem>>) src(%dma_wait3A_66 : memref<10240x128xf32, #tpu.memory_space<hbm>>) dst(%arg10 : memref<128x128xf32, #tpu.memory_space<vmem>>)
      %add3A_67 = arith.constant 1 : i32
      %add3A_68 = arith.addi %mul3A_41, %add3A_67 : i32
      "tpu.region"() ({
        %run_scoped3A = tpu.sem_alloc : memref<!tpu.dma_semaphore, #tpu.memory_space<semaphore_mem>>
        %dma_start3A_70 = arith.constant 0 : i32
        %dma_start3A_71 = tpu.memref_slice %arg8[%add3A_68, %dma_start3A_70] : memref<40x128xi32, #tpu.memory_space<vmem>> -> memref<1x128xi32, #tpu.memory_space<vmem>>
        %dma_start3A_72 = tpu.memref_squeeze %dma_start3A_71 : memref<1x128xi32, #tpu.memory_space<vmem>> -> memref<128xi32, #tpu.memory_space<vmem>>
        %dma_start3A_73 = arith.constant 0 : i32
        %dma_start3A_74 = arith.constant 0 : i32
        %dma_start3A_75 = tpu.memref_slice %arg13[%dma_start3A_73, %dma_start3A_74] : memref<10240x128xf32, #tpu.memory_space<vmem_shared>> -> memref<10240x128xf32, #tpu.memory_space<vmem_shared>>
        tpu.enqueue_indirect_dma source(%arg10 : memref<128x128xf32, #tpu.memory_space<vmem>>) target(%dma_start3A_75 : memref<10240x128xf32, #tpu.memory_space<vmem_shared>>) offsets(%dma_start3A_72 : memref<128xi32, #tpu.memory_space<vmem>>) semaphore(%run_scoped3A : memref<!tpu.dma_semaphore, #tpu.memory_space<semaphore_mem>>) {add = true}
        %dma_wait3A_76 = arith.constant 0 : i32
        %dma_wait3A_77 = tpu.memref_slice %arg8[%add3A_68, %dma_wait3A_76] : memref<40x128xi32, #tpu.memory_space<vmem>> -> memref<1x128xi32, #tpu.memory_space<vmem>>
        %dma_wait3A_78 = tpu.memref_squeeze %dma_wait3A_77 : memref<1x128xi32, #tpu.memory_space<vmem>> -> memref<128xi32, #tpu.memory_space<vmem>>
        %dma_wait3A_79 = arith.constant 0 : i32
        %dma_wait3A_80 = arith.constant 0 : i32
        %dma_wait3A_81 = tpu.memref_slice %arg13[%dma_wait3A_79, %dma_wait3A_80] : memref<10240x128xf32, #tpu.memory_space<vmem_shared>> -> memref<10240x128xf32, #tpu.memory_space<vmem_shared>>
        tpu.wait_indirect_dma semaphore(%run_scoped3A : memref<!tpu.dma_semaphore, #tpu.memory_space<semaphore_mem>>) src(%arg10 : memref<128x128xf32, #tpu.memory_space<vmem>>) dst(%dma_wait3A_81 : memref<10240x128xf32, #tpu.memory_space<vmem_shared>>)
        tpu.yield
      }) : () -> ()
      %scan3A_69 = arith.constant 0 : i32
      scf.yield %scan3A_69 : i32
    }
    %scan3A_36 = arith.constant 20 : i32
    %barrier3A_37 = arith.constant 0 : index
    tpu.barrier barrier_id(%barrier3A_37)
    "tpu.region"() ({
      %run_scoped3A = tpu.sem_alloc : memref<!tpu.dma_semaphore, #tpu.memory_space<semaphore_mem>>
      %dma_start3A_38 = arith.constant 0 : i32
      %dma_start3A_39 = tpu.memref_slice %arg6[%arg0, %mul3A_2, %dma_start3A_38] : memref<2x10240x128xf32, #tpu.memory_space<hbm>> -> memref<1x640x128xf32, #tpu.memory_space<hbm>>
      %dma_start3A_40 = tpu.memref_squeeze %dma_start3A_39 : memref<1x640x128xf32, #tpu.memory_space<hbm>> -> memref<640x128xf32, #tpu.memory_space<hbm>>
      %dma_start3A_41 = arith.constant 0 : i32
      %dma_start3A_42 = tpu.memref_slice %arg13[%mul3A_2, %dma_start3A_41] : memref<10240x128xf32, #tpu.memory_space<vmem_shared>> -> memref<640x128xf32, #tpu.memory_space<vmem_shared>>
      tpu.enqueue_dma source(%dma_start3A_42 : memref<640x128xf32, #tpu.memory_space<vmem_shared>>) target(%dma_start3A_40 : memref<640x128xf32, #tpu.memory_space<hbm>>) target_semaphore(%run_scoped3A : memref<!tpu.dma_semaphore, #tpu.memory_space<semaphore_mem>>)
      %dma_wait3A = arith.constant 0 : i32
      %dma_wait3A_43 = tpu.memref_slice %arg6[%arg0, %mul3A_2, %dma_wait3A] : memref<2x10240x128xf32, #tpu.memory_space<hbm>> -> memref<1x640x128xf32, #tpu.memory_space<hbm>>
      %dma_wait3A_44 = tpu.memref_squeeze %dma_wait3A_43 : memref<1x640x128xf32, #tpu.memory_space<hbm>> -> memref<640x128xf32, #tpu.memory_space<hbm>>
      %dma_wait3A_45 = arith.constant 0 : i32
      %dma_wait3A_46 = tpu.memref_slice %arg13[%mul3A_2, %dma_wait3A_45] : memref<10240x128xf32, #tpu.memory_space<vmem_shared>> -> memref<640x128xf32, #tpu.memory_space<vmem_shared>>
      tpu.wait_dma2 semaphore(%run_scoped3A : memref<!tpu.dma_semaphore, #tpu.memory_space<semaphore_mem>>) src(%dma_wait3A_46 : memref<640x128xf32, #tpu.memory_space<vmem_shared>>) dst(%dma_wait3A_44 : memref<640x128xf32, #tpu.memory_space<hbm>>)
      tpu.yield
    }) : () -> ()
    return
  }
}

#map = affine_map<(d0, d1) -> (0, 0)>
#map1 = affine_map<(d0, d1) -> (0, 0, 0)>
module attributes {stable_mosaic.version = 14 : i64} {
  func.func @k(%arg0: i32, %arg1: i32, %arg2: memref<10240x128xf32, #tpu.memory_space<hbm>>, %arg3: memref<2560x128xi32, #tpu.memory_space<hbm>>, %arg4: memref<2560x128xi32, #tpu.memory_space<hbm>>, %arg5: memref<10240x128xf32, #tpu.memory_space<hbm>>, %arg6: memref<2x10240x128xf32, #tpu.memory_space<hbm>>, %arg7: memref<40x128xi32, #tpu.memory_space<vmem>>, %arg8: memref<40x128xi32, #tpu.memory_space<vmem>>, %arg9: memref<128x128xf32, #tpu.memory_space<vmem>>, %arg10: memref<128x128xf32, #tpu.memory_space<vmem>>, %arg11: memref<!tpu.dma_semaphore, #tpu.memory_space<semaphore_mem>>, %arg12: memref<!tpu.dma_semaphore, #tpu.memory_space<semaphore_mem>>, %arg13: memref<10240x128xf32, #tpu.memory_space<vmem_shared>>) attributes {dimension_semantics = [#tpu.dimension_semantics<core_parallel>, #tpu.dimension_semantics<subcore_parallel>], iteration_bounds = array<i64: 2, 16>, scalar_prefetch = 0 : i64, scratch_operands = 7 : i64, tpu.core_type = #tpu.core_type<sc_vector_subcore>, window_params = [{transform_indices = #map}, {transform_indices = #map}, {transform_indices = #map}, {transform_indices = #map}, {transform_indices = #map1}]} {
    %mul3A = arith.constant 2 : i32
    %mul3A_0 = arith.muli %arg1, %mul3A : i32
    %add3A = arith.addi %mul3A_0, %arg0 : i32
    %mul3A_1 = arith.constant 640 : i32
    %mul3A_2 = arith.muli %arg1, %mul3A_1 : i32
    "tpu.region"() ({
      %run_scoped3A = tpu.sem_alloc : memref<!tpu.dma_semaphore, #tpu.memory_space<semaphore_mem>>
      %dma_start3A_38 = arith.constant 0 : i32
      %dma_start3A_39 = tpu.memref_slice %arg13[%mul3A_2, %dma_start3A_38] : memref<10240x128xf32, #tpu.memory_space<vmem_shared>> -> memref<640x128xf32, #tpu.memory_space<vmem_shared>>
      %dma_start3A_40 = arith.constant 0 : i32
      %dma_start3A_41 = tpu.memref_slice %arg5[%mul3A_2, %dma_start3A_40] : memref<10240x128xf32, #tpu.memory_space<hbm>> -> memref<640x128xf32, #tpu.memory_space<hbm>>
      tpu.enqueue_dma source(%dma_start3A_41 : memref<640x128xf32, #tpu.memory_space<hbm>>) target(%dma_start3A_39 : memref<640x128xf32, #tpu.memory_space<vmem_shared>>) target_semaphore(%run_scoped3A : memref<!tpu.dma_semaphore, #tpu.memory_space<semaphore_mem>>)
      %dma_wait3A = arith.constant 0 : i32
      %dma_wait3A_42 = tpu.memref_slice %arg13[%mul3A_2, %dma_wait3A] : memref<10240x128xf32, #tpu.memory_space<vmem_shared>> -> memref<640x128xf32, #tpu.memory_space<vmem_shared>>
      %dma_wait3A_43 = arith.constant 0 : i32
      %dma_wait3A_44 = tpu.memref_slice %arg5[%mul3A_2, %dma_wait3A_43] : memref<10240x128xf32, #tpu.memory_space<hbm>> -> memref<640x128xf32, #tpu.memory_space<hbm>>
      tpu.wait_dma2 semaphore(%run_scoped3A : memref<!tpu.dma_semaphore, #tpu.memory_space<semaphore_mem>>) src(%dma_wait3A_44 : memref<640x128xf32, #tpu.memory_space<hbm>>) dst(%dma_wait3A_42 : memref<640x128xf32, #tpu.memory_space<vmem_shared>>)
      tpu.yield
    }) : () -> ()
    %barrier3A = arith.constant 0 : index
    tpu.barrier barrier_id(%barrier3A)
    %mul3A_3 = arith.constant 80 : i32
    %mul3A_4 = arith.muli %add3A, %mul3A_3 : i32
    %add3A_5 = arith.constant 0 : i32
    %add3A_6 = arith.addi %mul3A_4, %add3A_5 : i32
    "tpu.region"() ({
      %run_scoped3A = tpu.sem_alloc : memref<!tpu.dma_semaphore, #tpu.memory_space<semaphore_mem>>
      %dma_start3A_38 = arith.constant 0 : i32
      %dma_start3A_39 = tpu.memref_slice %arg3[%add3A_6, %dma_start3A_38] : memref<2560x128xi32, #tpu.memory_space<hbm>> -> memref<40x128xi32, #tpu.memory_space<hbm>>
      %dma_start3A_40 = arith.constant 0 : i32
      %dma_start3A_41 = tpu.memref_slice %arg3[%add3A_6, %dma_start3A_40] : memref<2560x128xi32, #tpu.memory_space<hbm>> -> memref<40x128xi32, #tpu.memory_space<hbm>>
      tpu.enqueue_dma source(%dma_start3A_41 : memref<40x128xi32, #tpu.memory_space<hbm>>) target(%arg7 : memref<40x128xi32, #tpu.memory_space<vmem>>) target_semaphore(%run_scoped3A : memref<!tpu.dma_semaphore, #tpu.memory_space<semaphore_mem>>)
      %dma_wait3A = arith.constant 0 : i32
      %dma_wait3A_42 = tpu.memref_slice %arg3[%add3A_6, %dma_wait3A] : memref<2560x128xi32, #tpu.memory_space<hbm>> -> memref<40x128xi32, #tpu.memory_space<hbm>>
      %dma_wait3A_43 = arith.constant 0 : i32
      %dma_wait3A_44 = tpu.memref_slice %arg3[%add3A_6, %dma_wait3A_43] : memref<2560x128xi32, #tpu.memory_space<hbm>> -> memref<40x128xi32, #tpu.memory_space<hbm>>
      tpu.wait_dma2 semaphore(%run_scoped3A : memref<!tpu.dma_semaphore, #tpu.memory_space<semaphore_mem>>) src(%dma_wait3A_44 : memref<40x128xi32, #tpu.memory_space<hbm>>) dst(%arg7 : memref<40x128xi32, #tpu.memory_space<vmem>>)
      tpu.yield
    }) : () -> ()
    "tpu.region"() ({
      %run_scoped3A = tpu.sem_alloc : memref<!tpu.dma_semaphore, #tpu.memory_space<semaphore_mem>>
      %dma_start3A_38 = arith.constant 0 : i32
      %dma_start3A_39 = tpu.memref_slice %arg4[%add3A_6, %dma_start3A_38] : memref<2560x128xi32, #tpu.memory_space<hbm>> -> memref<40x128xi32, #tpu.memory_space<hbm>>
      %dma_start3A_40 = arith.constant 0 : i32
      %dma_start3A_41 = tpu.memref_slice %arg4[%add3A_6, %dma_start3A_40] : memref<2560x128xi32, #tpu.memory_space<hbm>> -> memref<40x128xi32, #tpu.memory_space<hbm>>
      tpu.enqueue_dma source(%dma_start3A_41 : memref<40x128xi32, #tpu.memory_space<hbm>>) target(%arg8 : memref<40x128xi32, #tpu.memory_space<vmem>>) target_semaphore(%run_scoped3A : memref<!tpu.dma_semaphore, #tpu.memory_space<semaphore_mem>>)
      %dma_wait3A = arith.constant 0 : i32
      %dma_wait3A_42 = tpu.memref_slice %arg4[%add3A_6, %dma_wait3A] : memref<2560x128xi32, #tpu.memory_space<hbm>> -> memref<40x128xi32, #tpu.memory_space<hbm>>
      %dma_wait3A_43 = arith.constant 0 : i32
      %dma_wait3A_44 = tpu.memref_slice %arg4[%add3A_6, %dma_wait3A_43] : memref<2560x128xi32, #tpu.memory_space<hbm>> -> memref<40x128xi32, #tpu.memory_space<hbm>>
      tpu.wait_dma2 semaphore(%run_scoped3A : memref<!tpu.dma_semaphore, #tpu.memory_space<semaphore_mem>>) src(%dma_wait3A_44 : memref<40x128xi32, #tpu.memory_space<hbm>>) dst(%arg8 : memref<40x128xi32, #tpu.memory_space<vmem>>)
      tpu.yield
    }) : () -> ()
    %dma_start3A = arith.constant 0 : i32
    %dma_start3A_7 = arith.constant 0 : i32
    %dma_start3A_8 = tpu.memref_slice %arg7[%dma_start3A, %dma_start3A_7] : memref<40x128xi32, #tpu.memory_space<vmem>> -> memref<1x128xi32, #tpu.memory_space<vmem>>
    %dma_start3A_9 = tpu.memref_squeeze %dma_start3A_8 : memref<1x128xi32, #tpu.memory_space<vmem>> -> memref<128xi32, #tpu.memory_space<vmem>>
    %dma_start3A_10 = arith.constant 0 : i32
    %dma_start3A_11 = arith.constant 0 : i32
    %dma_start3A_12 = tpu.memref_slice %arg2[%dma_start3A_10, %dma_start3A_11] : memref<10240x128xf32, #tpu.memory_space<hbm>> -> memref<10240x128xf32, #tpu.memory_space<hbm>>
    tpu.enqueue_indirect_dma source(%dma_start3A_12 : memref<10240x128xf32, #tpu.memory_space<hbm>>) target(%arg9 : memref<128x128xf32, #tpu.memory_space<vmem>>) offsets(%dma_start3A_9 : memref<128xi32, #tpu.memory_space<vmem>>) semaphore(%arg11 : memref<!tpu.dma_semaphore, #tpu.memory_space<semaphore_mem>>)
    %scan3A = arith.constant 0 : i32
    %scan3A_13 = arith.constant 0 : i32
    %scan3A_14 = arith.constant 20 : i32
    %scan3A_15 = arith.addi %scan3A_13, %scan3A_14 : i32
    %scan3A_16 = arith.constant 1 : i32
    %scan3A_17 = scf.for %scan3A_38 = %scan3A_13 to %scan3A_15 step %scan3A_16 iter_args(%scan3A_39 = %scan3A) -> (i32)  : i32 {
      %mul3A_40 = arith.constant 2 : i32
      %mul3A_41 = arith.muli %scan3A_38, %mul3A_40 : i32
      %add3A_42 = arith.constant 1 : i32
      %add3A_43 = arith.addi %mul3A_41, %add3A_42 : i32
      %dma_start3A_44 = arith.constant 0 : i32
      %dma_start3A_45 = tpu.memref_slice %arg7[%add3A_43, %dma_start3A_44] : memref<40x128xi32, #tpu.memory_space<vmem>> -> memref<1x128xi32, #tpu.memory_space<vmem>>
      %dma_start3A_46 = tpu.memref_squeeze %dma_start3A_45 : memref<1x128xi32, #tpu.memory_space<vmem>> -> memref<128xi32, #tpu.memory_space<vmem>>
      %dma_start3A_47 = arith.constant 0 : i32
      %dma_start3A_48 = arith.constant 0 : i32
      %dma_start3A_49 = tpu.memref_slice %arg2[%dma_start3A_47, %dma_start3A_48] : memref<10240x128xf32, #tpu.memory_space<hbm>> -> memref<10240x128xf32, #tpu.memory_space<hbm>>
      tpu.enqueue_indirect_dma source(%dma_start3A_49 : memref<10240x128xf32, #tpu.memory_space<hbm>>) target(%arg10 : memref<128x128xf32, #tpu.memory_space<vmem>>) offsets(%dma_start3A_46 : memref<128xi32, #tpu.memory_space<vmem>>) semaphore(%arg12 : memref<!tpu.dma_semaphore, #tpu.memory_space<semaphore_mem>>)
      %dma_wait3A = arith.constant 0 : i32
      %dma_wait3A_50 = tpu.memref_slice %arg7[%mul3A_41, %dma_wait3A] : memref<40x128xi32, #tpu.memory_space<vmem>> -> memref<1x128xi32, #tpu.memory_space<vmem>>
      %dma_wait3A_51 = tpu.memref_squeeze %dma_wait3A_50 : memref<1x128xi32, #tpu.memory_space<vmem>> -> memref<128xi32, #tpu.memory_space<vmem>>
      %dma_wait3A_52 = arith.constant 0 : i32
      %dma_wait3A_53 = arith.constant 0 : i32
      %dma_wait3A_54 = tpu.memref_slice %arg2[%dma_wait3A_52, %dma_wait3A_53] : memref<10240x128xf32, #tpu.memory_space<hbm>> -> memref<10240x128xf32, #tpu.memory_space<hbm>>
      tpu.wait_indirect_dma semaphore(%arg11 : memref<!tpu.dma_semaphore, #tpu.memory_space<semaphore_mem>>) src(%dma_wait3A_54 : memref<10240x128xf32, #tpu.memory_space<hbm>>) dst(%arg9 : memref<128x128xf32, #tpu.memory_space<vmem>>)
      "tpu.region"() ({
        %run_scoped3A = tpu.sem_alloc : memref<!tpu.dma_semaphore, #tpu.memory_space<semaphore_mem>>
        %dma_start3A_70 = arith.constant 0 : i32
        %dma_start3A_71 = tpu.memref_slice %arg8[%mul3A_41, %dma_start3A_70] : memref<40x128xi32, #tpu.memory_space<vmem>> -> memref<1x128xi32, #tpu.memory_space<vmem>>
        %dma_start3A_72 = tpu.memref_squeeze %dma_start3A_71 : memref<1x128xi32, #tpu.memory_space<vmem>> -> memref<128xi32, #tpu.memory_space<vmem>>
        %dma_start3A_73 = arith.constant 0 : i32
        %dma_start3A_74 = arith.constant 0 : i32
        %dma_start3A_75 = tpu.memref_slice %arg13[%dma_start3A_73, %dma_start3A_74] : memref<10240x128xf32, #tpu.memory_space<vmem_shared>> -> memref<10240x128xf32, #tpu.memory_space<vmem_shared>>
        tpu.enqueue_indirect_dma source(%arg9 : memref<128x128xf32, #tpu.memory_space<vmem>>) target(%dma_start3A_75 : memref<10240x128xf32, #tpu.memory_space<vmem_shared>>) offsets(%dma_start3A_72 : memref<128xi32, #tpu.memory_space<vmem>>) semaphore(%run_scoped3A : memref<!tpu.dma_semaphore, #tpu.memory_space<semaphore_mem>>) {add = true}
        %dma_wait3A_76 = arith.constant 0 : i32
        %dma_wait3A_77 = tpu.memref_slice %arg8[%mul3A_41, %dma_wait3A_76] : memref<40x128xi32, #tpu.memory_space<vmem>> -> memref<1x128xi32, #tpu.memory_space<vmem>>
        %dma_wait3A_78 = tpu.memref_squeeze %dma_wait3A_77 : memref<1x128xi32, #tpu.memory_space<vmem>> -> memref<128xi32, #tpu.memory_space<vmem>>
        %dma_wait3A_79 = arith.constant 0 : i32
        %dma_wait3A_80 = arith.constant 0 : i32
        %dma_wait3A_81 = tpu.memref_slice %arg13[%dma_wait3A_79, %dma_wait3A_80] : memref<10240x128xf32, #tpu.memory_space<vmem_shared>> -> memref<10240x128xf32, #tpu.memory_space<vmem_shared>>
        tpu.wait_indirect_dma semaphore(%run_scoped3A : memref<!tpu.dma_semaphore, #tpu.memory_space<semaphore_mem>>) src(%arg9 : memref<128x128xf32, #tpu.memory_space<vmem>>) dst(%dma_wait3A_81 : memref<10240x128xf32, #tpu.memory_space<vmem_shared>>)
        tpu.yield
      }) : () -> ()
      %add3A_55 = arith.constant 2 : i32
      %add3A_56 = arith.addi %mul3A_41, %add3A_55 : i32
      %lt3A = arith.constant 40 : i32
      %lt3A_57 = arith.cmpi slt, %add3A_56, %lt3A : i32
      %convert_element_type3A = arith.extui %lt3A_57 : i1 to i32
      %cond3A = arith.constant 0 : i32
      %cond3A_58 = arith.cmpi ne, %convert_element_type3A, %cond3A : i32
      scf.if %cond3A_58 {
        %add3A_70 = arith.constant 2 : i32
        %add3A_71 = arith.addi %mul3A_41, %add3A_70 : i32
        %dma_start3A_72 = arith.constant 0 : i32
        %dma_start3A_73 = tpu.memref_slice %arg7[%add3A_71, %dma_start3A_72] : memref<40x128xi32, #tpu.memory_space<vmem>> -> memref<1x128xi32, #tpu.memory_space<vmem>>
        %dma_start3A_74 = tpu.memref_squeeze %dma_start3A_73 : memref<1x128xi32, #tpu.memory_space<vmem>> -> memref<128xi32, #tpu.memory_space<vmem>>
        %dma_start3A_75 = arith.constant 0 : i32
        %dma_start3A_76 = arith.constant 0 : i32
        %dma_start3A_77 = tpu.memref_slice %arg2[%dma_start3A_75, %dma_start3A_76] : memref<10240x128xf32, #tpu.memory_space<hbm>> -> memref<10240x128xf32, #tpu.memory_space<hbm>>
        tpu.enqueue_indirect_dma source(%dma_start3A_77 : memref<10240x128xf32, #tpu.memory_space<hbm>>) target(%arg9 : memref<128x128xf32, #tpu.memory_space<vmem>>) offsets(%dma_start3A_74 : memref<128xi32, #tpu.memory_space<vmem>>) semaphore(%arg11 : memref<!tpu.dma_semaphore, #tpu.memory_space<semaphore_mem>>)
      } else {
      }
      %add3A_59 = arith.constant 1 : i32
      %add3A_60 = arith.addi %mul3A_41, %add3A_59 : i32
      %dma_wait3A_61 = arith.constant 0 : i32
      %dma_wait3A_62 = tpu.memref_slice %arg7[%add3A_60, %dma_wait3A_61] : memref<40x128xi32, #tpu.memory_space<vmem>> -> memref<1x128xi32, #tpu.memory_space<vmem>>
      %dma_wait3A_63 = tpu.memref_squeeze %dma_wait3A_62 : memref<1x128xi32, #tpu.memory_space<vmem>> -> memref<128xi32, #tpu.memory_space<vmem>>
      %dma_wait3A_64 = arith.constant 0 : i32
      %dma_wait3A_65 = arith.constant 0 : i32
      %dma_wait3A_66 = tpu.memref_slice %arg2[%dma_wait3A_64, %dma_wait3A_65] : memref<10240x128xf32, #tpu.memory_space<hbm>> -> memref<10240x128xf32, #tpu.memory_space<hbm>>
      tpu.wait_indirect_dma semaphore(%arg12 : memref<!tpu.dma_semaphore, #tpu.memory_space<semaphore_mem>>) src(%dma_wait3A_66 : memref<10240x128xf32, #tpu.memory_space<hbm>>) dst(%arg10 : memref<128x128xf32, #tpu.memory_space<vmem>>)
      %add3A_67 = arith.constant 1 : i32
      %add3A_68 = arith.addi %mul3A_41, %add3A_67 : i32
      "tpu.region"() ({
        %run_scoped3A = tpu.sem_alloc : memref<!tpu.dma_semaphore, #tpu.memory_space<semaphore_mem>>
        %dma_start3A_70 = arith.constant 0 : i32
        %dma_start3A_71 = tpu.memref_slice %arg8[%add3A_68, %dma_start3A_70] : memref<40x128xi32, #tpu.memory_space<vmem>> -> memref<1x128xi32, #tpu.memory_space<vmem>>
        %dma_start3A_72 = tpu.memref_squeeze %dma_start3A_71 : memref<1x128xi32, #tpu.memory_space<vmem>> -> memref<128xi32, #tpu.memory_space<vmem>>
        %dma_start3A_73 = arith.constant 0 : i32
        %dma_start3A_74 = arith.constant 0 : i32
        %dma_start3A_75 = tpu.memref_slice %arg13[%dma_start3A_73, %dma_start3A_74] : memref<10240x128xf32, #tpu.memory_space<vmem_shared>> -> memref<10240x128xf32, #tpu.memory_space<vmem_shared>>
        tpu.enqueue_indirect_dma source(%arg10 : memref<128x128xf32, #tpu.memory_space<vmem>>) target(%dma_start3A_75 : memref<10240x128xf32, #tpu.memory_space<vmem_shared>>) offsets(%dma_start3A_72 : memref<128xi32, #tpu.memory_space<vmem>>) semaphore(%run_scoped3A : memref<!tpu.dma_semaphore, #tpu.memory_space<semaphore_mem>>) {add = true}
        %dma_wait3A_76 = arith.constant 0 : i32
        %dma_wait3A_77 = tpu.memref_slice %arg8[%add3A_68, %dma_wait3A_76] : memref<40x128xi32, #tpu.memory_space<vmem>> -> memref<1x128xi32, #tpu.memory_space<vmem>>
        %dma_wait3A_78 = tpu.memref_squeeze %dma_wait3A_77 : memref<1x128xi32, #tpu.memory_space<vmem>> -> memref<128xi32, #tpu.memory_space<vmem>>
        %dma_wait3A_79 = arith.constant 0 : i32
        %dma_wait3A_80 = arith.constant 0 : i32
        %dma_wait3A_81 = tpu.memref_slice %arg13[%dma_wait3A_79, %dma_wait3A_80] : memref<10240x128xf32, #tpu.memory_space<vmem_shared>> -> memref<10240x128xf32, #tpu.memory_space<vmem_shared>>
        tpu.wait_indirect_dma semaphore(%run_scoped3A : memref<!tpu.dma_semaphore, #tpu.memory_space<semaphore_mem>>) src(%arg10 : memref<128x128xf32, #tpu.memory_space<vmem>>) dst(%dma_wait3A_81 : memref<10240x128xf32, #tpu.memory_space<vmem_shared>>)
        tpu.yield
      }) : () -> ()
      %scan3A_69 = arith.constant 0 : i32
      scf.yield %scan3A_69 : i32
    }
    %scan3A_18 = arith.constant 20 : i32
    %mul3A_19 = arith.constant 80 : i32
    %mul3A_20 = arith.muli %add3A, %mul3A_19 : i32
    %add3A_21 = arith.constant 40 : i32
    %add3A_22 = arith.addi %mul3A_20, %add3A_21 : i32
    "tpu.region"() ({
      %run_scoped3A = tpu.sem_alloc : memref<!tpu.dma_semaphore, #tpu.memory_space<semaphore_mem>>
      %dma_start3A_38 = arith.constant 0 : i32
      %dma_start3A_39 = tpu.memref_slice %arg3[%add3A_22, %dma_start3A_38] : memref<2560x128xi32, #tpu.memory_space<hbm>> -> memref<40x128xi32, #tpu.memory_space<hbm>>
      %dma_start3A_40 = arith.constant 0 : i32
      %dma_start3A_41 = tpu.memref_slice %arg3[%add3A_22, %dma_start3A_40] : memref<2560x128xi32, #tpu.memory_space<hbm>> -> memref<40x128xi32, #tpu.memory_space<hbm>>
      tpu.enqueue_dma source(%dma_start3A_41 : memref<40x128xi32, #tpu.memory_space<hbm>>) target(%arg7 : memref<40x128xi32, #tpu.memory_space<vmem>>) target_semaphore(%run_scoped3A : memref<!tpu.dma_semaphore, #tpu.memory_space<semaphore_mem>>)
      %dma_wait3A = arith.constant 0 : i32
      %dma_wait3A_42 = tpu.memref_slice %arg3[%add3A_22, %dma_wait3A] : memref<2560x128xi32, #tpu.memory_space<hbm>> -> memref<40x128xi32, #tpu.memory_space<hbm>>
      %dma_wait3A_43 = arith.constant 0 : i32
      %dma_wait3A_44 = tpu.memref_slice %arg3[%add3A_22, %dma_wait3A_43] : memref<2560x128xi32, #tpu.memory_space<hbm>> -> memref<40x128xi32, #tpu.memory_space<hbm>>
      tpu.wait_dma2 semaphore(%run_scoped3A : memref<!tpu.dma_semaphore, #tpu.memory_space<semaphore_mem>>) src(%dma_wait3A_44 : memref<40x128xi32, #tpu.memory_space<hbm>>) dst(%arg7 : memref<40x128xi32, #tpu.memory_space<vmem>>)
      tpu.yield
    }) : () -> ()
    "tpu.region"() ({
      %run_scoped3A = tpu.sem_alloc : memref<!tpu.dma_semaphore, #tpu.memory_space<semaphore_mem>>
      %dma_start3A_38 = arith.constant 0 : i32
      %dma_start3A_39 = tpu.memref_slice %arg4[%add3A_22, %dma_start3A_38] : memref<2560x128xi32, #tpu.memory_space<hbm>> -> memref<40x128xi32, #tpu.memory_space<hbm>>
      %dma_start3A_40 = arith.constant 0 : i32
      %dma_start3A_41 = tpu.memref_slice %arg4[%add3A_22, %dma_start3A_40] : memref<2560x128xi32, #tpu.memory_space<hbm>> -> memref<40x128xi32, #tpu.memory_space<hbm>>
      tpu.enqueue_dma source(%dma_start3A_41 : memref<40x128xi32, #tpu.memory_space<hbm>>) target(%arg8 : memref<40x128xi32, #tpu.memory_space<vmem>>) target_semaphore(%run_scoped3A : memref<!tpu.dma_semaphore, #tpu.memory_space<semaphore_mem>>)
      %dma_wait3A = arith.constant 0 : i32
      %dma_wait3A_42 = tpu.memref_slice %arg4[%add3A_22, %dma_wait3A] : memref<2560x128xi32, #tpu.memory_space<hbm>> -> memref<40x128xi32, #tpu.memory_space<hbm>>
      %dma_wait3A_43 = arith.constant 0 : i32
      %dma_wait3A_44 = tpu.memref_slice %arg4[%add3A_22, %dma_wait3A_43] : memref<2560x128xi32, #tpu.memory_space<hbm>> -> memref<40x128xi32, #tpu.memory_space<hbm>>
      tpu.wait_dma2 semaphore(%run_scoped3A : memref<!tpu.dma_semaphore, #tpu.memory_space<semaphore_mem>>) src(%dma_wait3A_44 : memref<40x128xi32, #tpu.memory_space<hbm>>) dst(%arg8 : memref<40x128xi32, #tpu.memory_space<vmem>>)
      tpu.yield
    }) : () -> ()
    %dma_start3A_23 = arith.constant 0 : i32
    %dma_start3A_24 = arith.constant 0 : i32
    %dma_start3A_25 = tpu.memref_slice %arg7[%dma_start3A_23, %dma_start3A_24] : memref<40x128xi32, #tpu.memory_space<vmem>> -> memref<1x128xi32, #tpu.memory_space<vmem>>
    %dma_start3A_26 = tpu.memref_squeeze %dma_start3A_25 : memref<1x128xi32, #tpu.memory_space<vmem>> -> memref<128xi32, #tpu.memory_space<vmem>>
    %dma_start3A_27 = arith.constant 0 : i32
    %dma_start3A_28 = arith.constant 0 : i32
    %dma_start3A_29 = tpu.memref_slice %arg2[%dma_start3A_27, %dma_start3A_28] : memref<10240x128xf32, #tpu.memory_space<hbm>> -> memref<10240x128xf32, #tpu.memory_space<hbm>>
    tpu.enqueue_indirect_dma source(%dma_start3A_29 : memref<10240x128xf32, #tpu.memory_space<hbm>>) target(%arg9 : memref<128x128xf32, #tpu.memory_space<vmem>>) offsets(%dma_start3A_26 : memref<128xi32, #tpu.memory_space<vmem>>) semaphore(%arg11 : memref<!tpu.dma_semaphore, #tpu.memory_space<semaphore_mem>>)
    %scan3A_30 = arith.constant 0 : i32
    %scan3A_31 = arith.constant 0 : i32
    %scan3A_32 = arith.constant 20 : i32
    %scan3A_33 = arith.addi %scan3A_31, %scan3A_32 : i32
    %scan3A_34 = arith.constant 1 : i32
    %scan3A_35 = scf.for %scan3A_38 = %scan3A_31 to %scan3A_33 step %scan3A_34 iter_args(%scan3A_39 = %scan3A_30) -> (i32)  : i32 {
      %mul3A_40 = arith.constant 2 : i32
      %mul3A_41 = arith.muli %scan3A_38, %mul3A_40 : i32
      %add3A_42 = arith.constant 1 : i32
      %add3A_43 = arith.addi %mul3A_41, %add3A_42 : i32
      %dma_start3A_44 = arith.constant 0 : i32
      %dma_start3A_45 = tpu.memref_slice %arg7[%add3A_43, %dma_start3A_44] : memref<40x128xi32, #tpu.memory_space<vmem>> -> memref<1x128xi32, #tpu.memory_space<vmem>>
      %dma_start3A_46 = tpu.memref_squeeze %dma_start3A_45 : memref<1x128xi32, #tpu.memory_space<vmem>> -> memref<128xi32, #tpu.memory_space<vmem>>
      %dma_start3A_47 = arith.constant 0 : i32
      %dma_start3A_48 = arith.constant 0 : i32
      %dma_start3A_49 = tpu.memref_slice %arg2[%dma_start3A_47, %dma_start3A_48] : memref<10240x128xf32, #tpu.memory_space<hbm>> -> memref<10240x128xf32, #tpu.memory_space<hbm>>
      tpu.enqueue_indirect_dma source(%dma_start3A_49 : memref<10240x128xf32, #tpu.memory_space<hbm>>) target(%arg10 : memref<128x128xf32, #tpu.memory_space<vmem>>) offsets(%dma_start3A_46 : memref<128xi32, #tpu.memory_space<vmem>>) semaphore(%arg12 : memref<!tpu.dma_semaphore, #tpu.memory_space<semaphore_mem>>)
      %dma_wait3A = arith.constant 0 : i32
      %dma_wait3A_50 = tpu.memref_slice %arg7[%mul3A_41, %dma_wait3A] : memref<40x128xi32, #tpu.memory_space<vmem>> -> memref<1x128xi32, #tpu.memory_space<vmem>>
      %dma_wait3A_51 = tpu.memref_squeeze %dma_wait3A_50 : memref<1x128xi32, #tpu.memory_space<vmem>> -> memref<128xi32, #tpu.memory_space<vmem>>
      %dma_wait3A_52 = arith.constant 0 : i32
      %dma_wait3A_53 = arith.constant 0 : i32
      %dma_wait3A_54 = tpu.memref_slice %arg2[%dma_wait3A_52, %dma_wait3A_53] : memref<10240x128xf32, #tpu.memory_space<hbm>> -> memref<10240x128xf32, #tpu.memory_space<hbm>>
      tpu.wait_indirect_dma semaphore(%arg11 : memref<!tpu.dma_semaphore, #tpu.memory_space<semaphore_mem>>) src(%dma_wait3A_54 : memref<10240x128xf32, #tpu.memory_space<hbm>>) dst(%arg9 : memref<128x128xf32, #tpu.memory_space<vmem>>)
      "tpu.region"() ({
        %run_scoped3A = tpu.sem_alloc : memref<!tpu.dma_semaphore, #tpu.memory_space<semaphore_mem>>
        %dma_start3A_70 = arith.constant 0 : i32
        %dma_start3A_71 = tpu.memref_slice %arg8[%mul3A_41, %dma_start3A_70] : memref<40x128xi32, #tpu.memory_space<vmem>> -> memref<1x128xi32, #tpu.memory_space<vmem>>
        %dma_start3A_72 = tpu.memref_squeeze %dma_start3A_71 : memref<1x128xi32, #tpu.memory_space<vmem>> -> memref<128xi32, #tpu.memory_space<vmem>>
        %dma_start3A_73 = arith.constant 0 : i32
        %dma_start3A_74 = arith.constant 0 : i32
        %dma_start3A_75 = tpu.memref_slice %arg13[%dma_start3A_73, %dma_start3A_74] : memref<10240x128xf32, #tpu.memory_space<vmem_shared>> -> memref<10240x128xf32, #tpu.memory_space<vmem_shared>>
        tpu.enqueue_indirect_dma source(%arg9 : memref<128x128xf32, #tpu.memory_space<vmem>>) target(%dma_start3A_75 : memref<10240x128xf32, #tpu.memory_space<vmem_shared>>) offsets(%dma_start3A_72 : memref<128xi32, #tpu.memory_space<vmem>>) semaphore(%run_scoped3A : memref<!tpu.dma_semaphore, #tpu.memory_space<semaphore_mem>>) {add = true}
        %dma_wait3A_76 = arith.constant 0 : i32
        %dma_wait3A_77 = tpu.memref_slice %arg8[%mul3A_41, %dma_wait3A_76] : memref<40x128xi32, #tpu.memory_space<vmem>> -> memref<1x128xi32, #tpu.memory_space<vmem>>
        %dma_wait3A_78 = tpu.memref_squeeze %dma_wait3A_77 : memref<1x128xi32, #tpu.memory_space<vmem>> -> memref<128xi32, #tpu.memory_space<vmem>>
        %dma_wait3A_79 = arith.constant 0 : i32
        %dma_wait3A_80 = arith.constant 0 : i32
        %dma_wait3A_81 = tpu.memref_slice %arg13[%dma_wait3A_79, %dma_wait3A_80] : memref<10240x128xf32, #tpu.memory_space<vmem_shared>> -> memref<10240x128xf32, #tpu.memory_space<vmem_shared>>
        tpu.wait_indirect_dma semaphore(%run_scoped3A : memref<!tpu.dma_semaphore, #tpu.memory_space<semaphore_mem>>) src(%arg9 : memref<128x128xf32, #tpu.memory_space<vmem>>) dst(%dma_wait3A_81 : memref<10240x128xf32, #tpu.memory_space<vmem_shared>>)
        tpu.yield
      }) : () -> ()
      %add3A_55 = arith.constant 2 : i32
      %add3A_56 = arith.addi %mul3A_41, %add3A_55 : i32
      %lt3A = arith.constant 40 : i32
      %lt3A_57 = arith.cmpi slt, %add3A_56, %lt3A : i32
      %convert_element_type3A = arith.extui %lt3A_57 : i1 to i32
      %cond3A = arith.constant 0 : i32
      %cond3A_58 = arith.cmpi ne, %convert_element_type3A, %cond3A : i32
      scf.if %cond3A_58 {
        %add3A_70 = arith.constant 2 : i32
        %add3A_71 = arith.addi %mul3A_41, %add3A_70 : i32
        %dma_start3A_72 = arith.constant 0 : i32
        %dma_start3A_73 = tpu.memref_slice %arg7[%add3A_71, %dma_start3A_72] : memref<40x128xi32, #tpu.memory_space<vmem>> -> memref<1x128xi32, #tpu.memory_space<vmem>>
        %dma_start3A_74 = tpu.memref_squeeze %dma_start3A_73 : memref<1x128xi32, #tpu.memory_space<vmem>> -> memref<128xi32, #tpu.memory_space<vmem>>
        %dma_start3A_75 = arith.constant 0 : i32
        %dma_start3A_76 = arith.constant 0 : i32
        %dma_start3A_77 = tpu.memref_slice %arg2[%dma_start3A_75, %dma_start3A_76] : memref<10240x128xf32, #tpu.memory_space<hbm>> -> memref<10240x128xf32, #tpu.memory_space<hbm>>
        tpu.enqueue_indirect_dma source(%dma_start3A_77 : memref<10240x128xf32, #tpu.memory_space<hbm>>) target(%arg9 : memref<128x128xf32, #tpu.memory_space<vmem>>) offsets(%dma_start3A_74 : memref<128xi32, #tpu.memory_space<vmem>>) semaphore(%arg11 : memref<!tpu.dma_semaphore, #tpu.memory_space<semaphore_mem>>)
      } else {
      }
      %add3A_59 = arith.constant 1 : i32
      %add3A_60 = arith.addi %mul3A_41, %add3A_59 : i32
      %dma_wait3A_61 = arith.constant 0 : i32
      %dma_wait3A_62 = tpu.memref_slice %arg7[%add3A_60, %dma_wait3A_61] : memref<40x128xi32, #tpu.memory_space<vmem>> -> memref<1x128xi32, #tpu.memory_space<vmem>>
      %dma_wait3A_63 = tpu.memref_squeeze %dma_wait3A_62 : memref<1x128xi32, #tpu.memory_space<vmem>> -> memref<128xi32, #tpu.memory_space<vmem>>
      %dma_wait3A_64 = arith.constant 0 : i32
      %dma_wait3A_65 = arith.constant 0 : i32
      %dma_wait3A_66 = tpu.memref_slice %arg2[%dma_wait3A_64, %dma_wait3A_65] : memref<10240x128xf32, #tpu.memory_space<hbm>> -> memref<10240x128xf32, #tpu.memory_space<hbm>>
      tpu.wait_indirect_dma semaphore(%arg12 : memref<!tpu.dma_semaphore, #tpu.memory_space<semaphore_mem>>) src(%dma_wait3A_66 : memref<10240x128xf32, #tpu.memory_space<hbm>>) dst(%arg10 : memref<128x128xf32, #tpu.memory_space<vmem>>)
      %add3A_67 = arith.constant 1 : i32
      %add3A_68 = arith.addi %mul3A_41, %add3A_67 : i32
      "tpu.region"() ({
        %run_scoped3A = tpu.sem_alloc : memref<!tpu.dma_semaphore, #tpu.memory_space<semaphore_mem>>
        %dma_start3A_70 = arith.constant 0 : i32
        %dma_start3A_71 = tpu.memref_slice %arg8[%add3A_68, %dma_start3A_70] : memref<40x128xi32, #tpu.memory_space<vmem>> -> memref<1x128xi32, #tpu.memory_space<vmem>>
        %dma_start3A_72 = tpu.memref_squeeze %dma_start3A_71 : memref<1x128xi32, #tpu.memory_space<vmem>> -> memref<128xi32, #tpu.memory_space<vmem>>
        %dma_start3A_73 = arith.constant 0 : i32
        %dma_start3A_74 = arith.constant 0 : i32
        %dma_start3A_75 = tpu.memref_slice %arg13[%dma_start3A_73, %dma_start3A_74] : memref<10240x128xf32, #tpu.memory_space<vmem_shared>> -> memref<10240x128xf32, #tpu.memory_space<vmem_shared>>
        tpu.enqueue_indirect_dma source(%arg10 : memref<128x128xf32, #tpu.memory_space<vmem>>) target(%dma_start3A_75 : memref<10240x128xf32, #tpu.memory_space<vmem_shared>>) offsets(%dma_start3A_72 : memref<128xi32, #tpu.memory_space<vmem>>) semaphore(%run_scoped3A : memref<!tpu.dma_semaphore, #tpu.memory_space<semaphore_mem>>) {add = true}
        %dma_wait3A_76 = arith.constant 0 : i32
        %dma_wait3A_77 = tpu.memref_slice %arg8[%add3A_68, %dma_wait3A_76] : memref<40x128xi32, #tpu.memory_space<vmem>> -> memref<1x128xi32, #tpu.memory_space<vmem>>
        %dma_wait3A_78 = tpu.memref_squeeze %dma_wait3A_77 : memref<1x128xi32, #tpu.memory_space<vmem>> -> memref<128xi32, #tpu.memory_space<vmem>>
        %dma_wait3A_79 = arith.constant 0 : i32
        %dma_wait3A_80 = arith.constant 0 : i32
        %dma_wait3A_81 = tpu.memref_slice %arg13[%dma_wait3A_79, %dma_wait3A_80] : memref<10240x128xf32, #tpu.memory_space<vmem_shared>> -> memref<10240x128xf32, #tpu.memory_space<vmem_shared>>
        tpu.wait_indirect_dma semaphore(%run_scoped3A : memref<!tpu.dma_semaphore, #tpu.memory_space<semaphore_mem>>) src(%arg10 : memref<128x128xf32, #tpu.memory_space<vmem>>) dst(%dma_wait3A_81 : memref<10240x128xf32, #tpu.memory_space<vmem_shared>>)
        tpu.yield
      }) : () -> ()
      %scan3A_69 = arith.constant 0 : i32
      scf.yield %scan3A_69 : i32
    }
    %scan3A_36 = arith.constant 20 : i32
    %barrier3A_37 = arith.constant 0 : index
    tpu.barrier barrier_id(%barrier3A_37)
    "tpu.region"() ({
      %run_scoped3A = tpu.sem_alloc : memref<!tpu.dma_semaphore, #tpu.memory_space<semaphore_mem>>
      %dma_start3A_38 = arith.constant 0 : i32
      %dma_start3A_39 = tpu.memref_slice %arg6[%arg0, %mul3A_2, %dma_start3A_38] : memref<2x10240x128xf32, #tpu.memory_space<hbm>> -> memref<1x640x128xf32, #tpu.memory_space<hbm>>
      %dma_start3A_40 = tpu.memref_squeeze %dma_start3A_39 : memref<1x640x128xf32, #tpu.memory_space<hbm>> -> memref<640x128xf32, #tpu.memory_space<hbm>>
      %dma_start3A_41 = arith.constant 0 : i32
      %dma_start3A_42 = tpu.memref_slice %arg13[%mul3A_2, %dma_start3A_41] : memref<10240x128xf32, #tpu.memory_space<vmem_shared>> -> memref<640x128xf32, #tpu.memory_space<vmem_shared>>
      tpu.enqueue_dma source(%dma_start3A_42 : memref<640x128xf32, #tpu.memory_space<vmem_shared>>) target(%dma_start3A_40 : memref<640x128xf32, #tpu.memory_space<hbm>>) target_semaphore(%run_scoped3A : memref<!tpu.dma_semaphore, #tpu.memory_space<semaphore_mem>>)
      %dma_wait3A = arith.constant 0 : i32
      %dma_wait3A_43 = tpu.memref_slice %arg6[%arg0, %mul3A_2, %dma_wait3A] : memref<2x10240x128xf32, #tpu.memory_space<hbm>> -> memref<1x640x128xf32, #tpu.memory_space<hbm>>
      %dma_wait3A_44 = tpu.memref_squeeze %dma_wait3A_43 : memref<1x640x128xf32, #tpu.memory_space<hbm>> -> memref<640x128xf32, #tpu.memory_space<hbm>>
      %dma_wait3A_45 = arith.constant 0 : i32
      %dma_wait3A_46 = tpu.memref_slice %arg13[%mul3A_2, %dma_wait3A_45] : memref<10240x128xf32, #tpu.memory_space<vmem_shared>> -> memref<640x128xf32, #tpu.memory_space<vmem_shared>>
      tpu.wait_dma2 semaphore(%run_scoped3A : memref<!tpu.dma_semaphore, #tpu.memory_space<semaphore_mem>>) src(%dma_wait3A_46 : memref<640x128xf32, #tpu.memory_space<vmem_shared>>) dst(%dma_wait3A_44 : memref<640x128xf32, #tpu.memory_space<hbm>>)
      tpu.yield
    }) : () -> ()
    return
  }
}

module attributes {stable_mosaic.version = 14 : i64} {
  func.func @_tc1_body(%arg0: i32, %arg1: memref<512x128xf32, #tpu.memory_space<vmem>>, %arg2: memref<128x128xf32, #tpu.memory_space<vmem>>, %arg3: memref<2x512x16xf32, #tpu.memory_space<vmem>>, %arg4: memref<512x128xf32, #tpu.memory_space<vmem>>) attributes {dimension_semantics = [#tpu.dimension_semantics<arbitrary>], iteration_bounds = array<i64: 20>, scalar_prefetch = 0 : i64, scratch_operands = 0 : i64, tpu.core_type = #tpu.core_type<tc>, window_params = [{transform_indices = @transform_0, window_bounds = array<i64: 512, 128>}, {pipeline_mode = #tpu.pipeline_mode<synchronous>, transform_indices = @transform_1, window_bounds = array<i64: 128, 128>}, {transform_indices = @transform_2, window_bounds = array<i64: 2, 512, 16>}, {transform_indices = @transform_3, window_bounds = array<i64: 512, 128>}]} {
    %get3A = arith.constant 0 : index
    %get3A_0 = arith.constant 0 : index
    %get3A_1 = arith.constant 0 : index
    %get3A_2 = vector.load %arg3[%get3A, %get3A_0, %get3A_1] : memref<2x512x16xf32, #tpu.memory_space<vmem>>, vector<2x512x16xf32>
    %slice3A = vector.extract_strided_slice %get3A_2 {offsets = [0, 0, 0], sizes = [1, 512, 16], strides = [1, 1, 1]} : vector<2x512x16xf32> to vector<1x512x16xf32>
    %squeeze3A = vector.shape_cast %slice3A : vector<1x512x16xf32> to vector<512x16xf32>
    %slice3A_3 = vector.extract_strided_slice %get3A_2 {offsets = [1, 0, 0], sizes = [1, 512, 16], strides = [1, 1, 1]} : vector<2x512x16xf32> to vector<1x512x16xf32>
    %squeeze3A_4 = vector.shape_cast %slice3A_3 : vector<1x512x16xf32> to vector<512x16xf32>
    %add3A = arith.addf %squeeze3A, %squeeze3A_4 : vector<512x16xf32>
    %slice3A_5 = vector.extract_strided_slice %add3A {offsets = [0, 0], sizes = [512, 1], strides = [1, 1]} : vector<512x16xf32> to vector<512x1xf32>
    %add3A_6 = arith.constant 1.000000e+00 : f32
    %add3A_7 = vector.broadcast %add3A_6 : f32 to vector<512x1xf32>
    %add3A_8 = arith.addf %slice3A_5, %add3A_7 : vector<512x1xf32>
    %rsqrt3A = math.rsqrt %add3A_8 : vector<512x1xf32>
    %get3A_9 = arith.constant 0 : index
    %get3A_10 = arith.constant 0 : index
    %get3A_11 = vector.load %arg1[%get3A_9, %get3A_10] : memref<512x128xf32, #tpu.memory_space<vmem>>, vector<512x128xf32>
    %get3A_12 = arith.constant 0 : index
    %get3A_13 = arith.constant 0 : index
    %get3A_14 = vector.load %arg2[%get3A_12, %get3A_13] : memref<128x128xf32, #tpu.memory_space<vmem>>, vector<128x128xf32>
    %dot_general3A = arith.constant dense<0.000000e+00> : vector<512x128xf32>
    %dot_general3A_15 = tpu.matmul %get3A_11, %get3A_14, %dot_general3A {dimension_numbers = #tpu.dot_dimension_numbers<[1], [0], [0], [1], [0, 0, 1, 1], [], []>, transpose_lhs_hint = false} : vector<512x128xf32>, vector<128x128xf32>, vector<512x128xf32> -> vector<512x128xf32>
    %mul3A = vector.broadcast %rsqrt3A : vector<512x1xf32> to vector<512x128xf32>
    %mul3A_16 = arith.mulf %dot_general3A_15, %mul3A : vector<512x128xf32>
    %swap3A = arith.constant 0 : index
    %swap3A_17 = arith.constant 0 : index
    %swap3A_18 = vector.load %arg4[%swap3A, %swap3A_17] : memref<512x128xf32, #tpu.memory_space<vmem>>, vector<512x128xf32>
    tpu.vector_store %arg4[%swap3A, %swap3A_17], %mul3A_16 {strides = array<i32>} : memref<512x128xf32, #tpu.memory_space<vmem>>, vector<512x128xf32>,
    return
  }
  func.func @transform_0(%arg0: i32) -> (i32, i32) {
    %c0_i32 = arith.constant 0 : i32
    %c0_i32_0 = arith.constant 0 : i32
    return %arg0, %c0_i32 : i32, i32
  }
  func.func @transform_1(%arg0: i32) -> (i32, i32) {
    %c0_i32 = arith.constant 0 : i32
    %c0_i32_0 = arith.constant 0 : i32
    %c0_i32_1 = arith.constant 0 : i32
    return %c0_i32, %c0_i32_0 : i32, i32
  }
  func.func @transform_2(%arg0: i32) -> (i32, i32, i32) {
    %c0_i32 = arith.constant 0 : i32
    %c0_i32_0 = arith.constant 0 : i32
    %c0_i32_1 = arith.constant 0 : i32
    return %c0_i32, %arg0, %c0_i32_0 : i32, i32, i32
  }
  func.func @transform_3(%arg0: i32) -> (i32, i32) {
    %c0_i32 = arith.constant 0 : i32
    %c0_i32_0 = arith.constant 0 : i32
    return %arg0, %c0_i32 : i32, i32
  }
}

module attributes {stable_mosaic.version = 14 : i64} {
  func.func @_tc2_body(%arg0: i32, %arg1: memref<2x512x128xf32, #tpu.memory_space<vmem>>, %arg2: memref<512x128xf32, #tpu.memory_space<vmem>>, %arg3: memref<2x512x16xf32, #tpu.memory_space<vmem>>, %arg4: memref<128x128xf32, #tpu.memory_space<vmem>>, %arg5: memref<1x128xf32, #tpu.memory_space<vmem>>, %arg6: memref<512x128xf32, #tpu.memory_space<vmem>>) attributes {dimension_semantics = [#tpu.dimension_semantics<arbitrary>], iteration_bounds = array<i64: 20>, scalar_prefetch = 0 : i64, scratch_operands = 0 : i64, tpu.core_type = #tpu.core_type<tc>, window_params = [{transform_indices = @transform_0, window_bounds = array<i64: 2, 512, 128>}, {transform_indices = @transform_1, window_bounds = array<i64: 512, 128>}, {transform_indices = @transform_2, window_bounds = array<i64: 2, 512, 16>}, {pipeline_mode = #tpu.pipeline_mode<synchronous>, transform_indices = @transform_3, window_bounds = array<i64: 128, 128>}, {pipeline_mode = #tpu.pipeline_mode<synchronous>, transform_indices = @transform_4, window_bounds = array<i64: 1, 128>}, {transform_indices = @transform_5, window_bounds = array<i64: 512, 128>}]} {
    %get3A = arith.constant 0 : index
    %get3A_0 = arith.constant 0 : index
    %get3A_1 = arith.constant 0 : index
    %get3A_2 = vector.load %arg3[%get3A, %get3A_0, %get3A_1] : memref<2x512x16xf32, #tpu.memory_space<vmem>>, vector<2x512x16xf32>
    %slice3A = vector.extract_strided_slice %get3A_2 {offsets = [0, 0, 0], sizes = [1, 512, 16], strides = [1, 1, 1]} : vector<2x512x16xf32> to vector<1x512x16xf32>
    %squeeze3A = vector.shape_cast %slice3A : vector<1x512x16xf32> to vector<512x16xf32>
    %slice3A_3 = vector.extract_strided_slice %get3A_2 {offsets = [1, 0, 0], sizes = [1, 512, 16], strides = [1, 1, 1]} : vector<2x512x16xf32> to vector<1x512x16xf32>
    %squeeze3A_4 = vector.shape_cast %slice3A_3 : vector<1x512x16xf32> to vector<512x16xf32>
    %add3A = arith.addf %squeeze3A, %squeeze3A_4 : vector<512x16xf32>
    %slice3A_5 = vector.extract_strided_slice %add3A {offsets = [0, 0], sizes = [512, 1], strides = [1, 1]} : vector<512x16xf32> to vector<512x1xf32>
    %add3A_6 = arith.constant 1.000000e+00 : f32
    %add3A_7 = vector.broadcast %add3A_6 : f32 to vector<512x1xf32>
    %add3A_8 = arith.addf %slice3A_5, %add3A_7 : vector<512x1xf32>
    %rsqrt3A = math.rsqrt %add3A_8 : vector<512x1xf32>
    %get3A_9 = arith.constant 0 : index
    %get3A_10 = arith.constant 0 : index
    %get3A_11 = arith.constant 0 : index
    %get3A_12 = vector.load %arg1[%get3A_9, %get3A_10, %get3A_11] : memref<2x512x128xf32, #tpu.memory_space<vmem>>, vector<2x512x128xf32>
    %slice3A_13 = vector.extract_strided_slice %get3A_12 {offsets = [0, 0, 0], sizes = [1, 512, 128], strides = [1, 1, 1]} : vector<2x512x128xf32> to vector<1x512x128xf32>
    %squeeze3A_14 = vector.shape_cast %slice3A_13 : vector<1x512x128xf32> to vector<512x128xf32>
    %slice3A_15 = vector.extract_strided_slice %get3A_12 {offsets = [1, 0, 0], sizes = [1, 512, 128], strides = [1, 1, 1]} : vector<2x512x128xf32> to vector<1x512x128xf32>
    %squeeze3A_16 = vector.shape_cast %slice3A_15 : vector<1x512x128xf32> to vector<512x128xf32>
    %add3A_17 = arith.addf %squeeze3A_14, %squeeze3A_16 : vector<512x128xf32>
    %get3A_18 = arith.constant 0 : index
    %get3A_19 = arith.constant 0 : index
    %get3A_20 = vector.load %arg2[%get3A_18, %get3A_19] : memref<512x128xf32, #tpu.memory_space<vmem>>, vector<512x128xf32>
    %add3A_21 = arith.addf %add3A_17, %get3A_20 : vector<512x128xf32>
    %mul3A = vector.broadcast %rsqrt3A : vector<512x1xf32> to vector<512x128xf32>
    %mul3A_22 = arith.mulf %add3A_21, %mul3A : vector<512x128xf32>
    %get3A_23 = arith.constant 0 : index
    %get3A_24 = arith.constant 0 : index
    %get3A_25 = vector.load %arg5[%get3A_23, %get3A_24] : memref<1x128xf32, #tpu.memory_space<vmem>>, vector<1x128xf32>
    %add3A_26 = vector.broadcast %get3A_25 : vector<1x128xf32> to vector<512x128xf32>
    %add3A_27 = arith.addf %mul3A_22, %add3A_26 : vector<512x128xf32>
    %max3A = arith.constant 0.000000e+00 : f32
    %max3A_28 = vector.broadcast %max3A : f32 to vector<512x128xf32>
    %max3A_29 = arith.maximumf %add3A_27, %max3A_28 : vector<512x128xf32>
    %get3A_30 = arith.constant 0 : index
    %get3A_31 = arith.constant 0 : index
    %get3A_32 = vector.load %arg4[%get3A_30, %get3A_31] : memref<128x128xf32, #tpu.memory_space<vmem>>, vector<128x128xf32>
    %dot_general3A = arith.constant dense<0.000000e+00> : vector<512x128xf32>
    %dot_general3A_33 = tpu.matmul %max3A_29, %get3A_32, %dot_general3A {dimension_numbers = #tpu.dot_dimension_numbers<[1], [0], [0], [1], [0, 0, 1, 1], [], []>, transpose_lhs_hint = false} : vector<512x128xf32>, vector<128x128xf32>, vector<512x128xf32> -> vector<512x128xf32>
    %mul3A_34 = vector.broadcast %rsqrt3A : vector<512x1xf32> to vector<512x128xf32>
    %mul3A_35 = arith.mulf %dot_general3A_33, %mul3A_34 : vector<512x128xf32>
    %swap3A = arith.constant 0 : index
    %swap3A_36 = arith.constant 0 : index
    %swap3A_37 = vector.load %arg6[%swap3A, %swap3A_36] : memref<512x128xf32, #tpu.memory_space<vmem>>, vector<512x128xf32>
    tpu.vector_store %arg6[%swap3A, %swap3A_36], %mul3A_35 {strides = array<i32>} : memref<512x128xf32, #tpu.memory_space<vmem>>, vector<512x128xf32>,
    return
  }
  func.func @transform_0(%arg0: i32) -> (i32, i32, i32) {
    %c0_i32 = arith.constant 0 : i32
    %c0_i32_0 = arith.constant 0 : i32
    %c0_i32_1 = arith.constant 0 : i32
    return %c0_i32, %arg0, %c0_i32_0 : i32, i32, i32
  }
  func.func @transform_1(%arg0: i32) -> (i32, i32) {
    %c0_i32 = arith.constant 0 : i32
    %c0_i32_0 = arith.constant 0 : i32
    return %arg0, %c0_i32 : i32, i32
  }
  func.func @transform_2(%arg0: i32) -> (i32, i32, i32) {
    %c0_i32 = arith.constant 0 : i32
    %c0_i32_0 = arith.constant 0 : i32
    %c0_i32_1 = arith.constant 0 : i32
    return %c0_i32, %arg0, %c0_i32_0 : i32, i32, i32
  }
  func.func @transform_3(%arg0: i32) -> (i32, i32) {
    %c0_i32 = arith.constant 0 : i32
    %c0_i32_0 = arith.constant 0 : i32
    %c0_i32_1 = arith.constant 0 : i32
    return %c0_i32, %c0_i32_0 : i32, i32
  }
  func.func @transform_4(%arg0: i32) -> (i32, i32) {
    %c0_i32 = arith.constant 0 : i32
    %c0_i32_0 = arith.constant 0 : i32
    %c0_i32_1 = arith.constant 0 : i32
    return %c0_i32, %c0_i32_0 : i32, i32
  }
  func.func @transform_5(%arg0: i32) -> (i32, i32) {
    %c0_i32 = arith.constant 0 : i32
    %c0_i32_0 = arith.constant 0 : i32
    return %arg0, %c0_i32 : i32, i32
  }
}

module attributes {stable_mosaic.version = 14 : i64} {
  func.func @_tc3_body(%arg0: i32, %arg1: memref<2x512x128xf32, #tpu.memory_space<vmem>>, %arg2: memref<512x128xf32, #tpu.memory_space<vmem>>, %arg3: memref<2x512x16xf32, #tpu.memory_space<vmem>>, %arg4: memref<1x128xf32, #tpu.memory_space<vmem>>, %arg5: memref<128x128xf32, #tpu.memory_space<vmem>>, %arg6: memref<1x1xf32, #tpu.memory_space<vmem>>, %arg7: memref<1x1xf32, #tpu.memory_space<vmem>>) attributes {dimension_semantics = [#tpu.dimension_semantics<arbitrary>], iteration_bounds = array<i64: 20>, scalar_prefetch = 0 : i64, scratch_operands = 0 : i64, tpu.core_type = #tpu.core_type<tc>, window_params = [{transform_indices = @transform_0, window_bounds = array<i64: 2, 512, 128>}, {transform_indices = @transform_1, window_bounds = array<i64: 512, 128>}, {transform_indices = @transform_2, window_bounds = array<i64: 2, 512, 16>}, {pipeline_mode = #tpu.pipeline_mode<synchronous>, transform_indices = @transform_3, window_bounds = array<i64: 1, 128>}, {pipeline_mode = #tpu.pipeline_mode<synchronous>, transform_indices = @transform_4, window_bounds = array<i64: 128, 128>}, {pipeline_mode = #tpu.pipeline_mode<synchronous>, transform_indices = @transform_5, window_bounds = array<i64: 1, 1>}, {pipeline_mode = #tpu.pipeline_mode<synchronous>, transform_indices = @transform_6, window_bounds = array<i64: 1, 1>}]} {
    %get3A = arith.constant 0 : index
    %get3A_0 = arith.constant 0 : index
    %get3A_1 = arith.constant 0 : index
    %get3A_2 = vector.load %arg3[%get3A, %get3A_0, %get3A_1] : memref<2x512x16xf32, #tpu.memory_space<vmem>>, vector<2x512x16xf32>
    %slice3A = vector.extract_strided_slice %get3A_2 {offsets = [0, 0, 0], sizes = [1, 512, 16], strides = [1, 1, 1]} : vector<2x512x16xf32> to vector<1x512x16xf32>
    %squeeze3A = vector.shape_cast %slice3A : vector<1x512x16xf32> to vector<512x16xf32>
    %slice3A_3 = vector.extract_strided_slice %get3A_2 {offsets = [1, 0, 0], sizes = [1, 512, 16], strides = [1, 1, 1]} : vector<2x512x16xf32> to vector<1x512x16xf32>
    %squeeze3A_4 = vector.shape_cast %slice3A_3 : vector<1x512x16xf32> to vector<512x16xf32>
    %add3A = arith.addf %squeeze3A, %squeeze3A_4 : vector<512x16xf32>
    %slice3A_5 = vector.extract_strided_slice %add3A {offsets = [0, 0], sizes = [512, 1], strides = [1, 1]} : vector<512x16xf32> to vector<512x1xf32>
    %add3A_6 = arith.constant 1.000000e+00 : f32
    %add3A_7 = vector.broadcast %add3A_6 : f32 to vector<512x1xf32>
    %add3A_8 = arith.addf %slice3A_5, %add3A_7 : vector<512x1xf32>
    %rsqrt3A = math.rsqrt %add3A_8 : vector<512x1xf32>
    %get3A_9 = arith.constant 0 : index
    %get3A_10 = arith.constant 0 : index
    %get3A_11 = arith.constant 0 : index
    %get3A_12 = vector.load %arg1[%get3A_9, %get3A_10, %get3A_11] : memref<2x512x128xf32, #tpu.memory_space<vmem>>, vector<2x512x128xf32>
    %slice3A_13 = vector.extract_strided_slice %get3A_12 {offsets = [0, 0, 0], sizes = [1, 512, 128], strides = [1, 1, 1]} : vector<2x512x128xf32> to vector<1x512x128xf32>
    %squeeze3A_14 = vector.shape_cast %slice3A_13 : vector<1x512x128xf32> to vector<512x128xf32>
    %slice3A_15 = vector.extract_strided_slice %get3A_12 {offsets = [1, 0, 0], sizes = [1, 512, 128], strides = [1, 1, 1]} : vector<2x512x128xf32> to vector<1x512x128xf32>
    %squeeze3A_16 = vector.shape_cast %slice3A_15 : vector<1x512x128xf32> to vector<512x128xf32>
    %add3A_17 = arith.addf %squeeze3A_14, %squeeze3A_16 : vector<512x128xf32>
    %get3A_18 = arith.constant 0 : index
    %get3A_19 = arith.constant 0 : index
    %get3A_20 = vector.load %arg2[%get3A_18, %get3A_19] : memref<512x128xf32, #tpu.memory_space<vmem>>, vector<512x128xf32>
    %add3A_21 = arith.addf %add3A_17, %get3A_20 : vector<512x128xf32>
    %mul3A = vector.broadcast %rsqrt3A : vector<512x1xf32> to vector<512x128xf32>
    %mul3A_22 = arith.mulf %add3A_21, %mul3A : vector<512x128xf32>
    %get3A_23 = arith.constant 0 : index
    %get3A_24 = arith.constant 0 : index
    %get3A_25 = vector.load %arg4[%get3A_23, %get3A_24] : memref<1x128xf32, #tpu.memory_space<vmem>>, vector<1x128xf32>
    %add3A_26 = vector.broadcast %get3A_25 : vector<1x128xf32> to vector<512x128xf32>
    %add3A_27 = arith.addf %mul3A_22, %add3A_26 : vector<512x128xf32>
    %max3A = arith.constant 0.000000e+00 : f32
    %max3A_28 = vector.broadcast %max3A : f32 to vector<512x128xf32>
    %max3A_29 = arith.maximumf %add3A_27, %max3A_28 : vector<512x128xf32>
    %get3A_30 = arith.constant 0 : index
    %get3A_31 = arith.constant 0 : index
    %get3A_32 = vector.load %arg5[%get3A_30, %get3A_31] : memref<128x128xf32, #tpu.memory_space<vmem>>, vector<128x128xf32>
    %dot_general3A = arith.constant dense<0.000000e+00> : vector<512x128xf32>
    %dot_general3A_33 = tpu.matmul %max3A_29, %get3A_32, %dot_general3A {dimension_numbers = #tpu.dot_dimension_numbers<[1], [0], [0], [1], [0, 0, 1, 1], [], []>, transpose_lhs_hint = false} : vector<512x128xf32>, vector<128x128xf32>, vector<512x128xf32> -> vector<512x128xf32>
    %slice3A_34 = vector.extract_strided_slice %dot_general3A_33 {offsets = [0, 0], sizes = [512, 1], strides = [1, 1]} : vector<512x128xf32> to vector<512x1xf32>
    %get3A_35 = arith.constant 0 : index
    %get3A_36 = arith.constant 0 : index
    %get3A_37 = vector.load %arg6[%get3A_35, %get3A_36] : memref<1x1xf32, #tpu.memory_space<vmem>>, vector<1x1xf32>
    %add3A_38 = vector.broadcast %get3A_37 : vector<1x1xf32> to vector<512x1xf32>
    %add3A_39 = arith.addf %slice3A_34, %add3A_38 : vector<512x1xf32>
    %max3A_40 = arith.constant 0.000000e+00 : f32
    %max3A_41 = vector.broadcast %max3A_40 : f32 to vector<512x1xf32>
    %max3A_42 = arith.maximumf %add3A_39, %max3A_41 : vector<512x1xf32>
    %iota3A = tpu.iota {dimensions = array<i32: 0>} : vector<512x1xi32>
    %mul3A_43 = arith.constant 512 : i32
    %mul3A_44 = arith.muli %arg0, %mul3A_43 : i32
    %add3A_45 = vector.broadcast %mul3A_44 : i32 to vector<512x1xi32>
    %add3A_46 = arith.addi %iota3A, %add3A_45 : vector<512x1xi32>
    %lt3A = arith.constant 10000 : i32
    %lt3A_47 = vector.broadcast %lt3A : i32 to vector<512x1xi32>
    %lt3A_48 = arith.cmpi slt, %add3A_46, %lt3A_47 : vector<512x1xi32>
    %jit3A = arith.constant 0.000000e+00 : f32
    %broadcast_in_dim3A = vector.broadcast %jit3A : f32 to vector<512x1xf32>
    %select_n3A = arith.select %lt3A_48, %max3A_42, %broadcast_in_dim3A : vector<512x1xi1>, vector<512x1xf32>
    %reduce_sum3A = vector.shape_cast %select_n3A : vector<512x1xf32> to vector<1x512x1xf32>
    %reduce_sum3A_49 = arith.constant dense<0.000000e+00> : vector<1xf32>
    %reduce_sum3A_50 = vector.multi_reduction <add>, %reduce_sum3A, %reduce_sum3A_49 [1, 2] : vector<1x512x1xf32> to vector<1xf32>
    %reduce_sum3A_51 = vector.shape_cast %reduce_sum3A_50 : vector<1xf32> to vector<1x1x1xf32>
    %reduce_sum3A_52 = vector.extract %reduce_sum3A_51[0, 0, 0] : f32 from vector<1x1x1xf32>
    %eq3A = arith.constant 0 : i32
    %eq3A_53 = arith.cmpi eq, %arg0, %eq3A : i32
    %convert_element_type3A = arith.extui %eq3A_53 : i1 to i32
    %cond3A = arith.constant 0 : i32
    %cond3A_54 = arith.cmpi ne, %convert_element_type3A, %cond3A : i32
    scf.if %cond3A_54 {
      %broadcast_in_dim3A_67 = arith.constant 0.000000e+00 : f32
      %broadcast_in_dim3A_68 = vector.broadcast %broadcast_in_dim3A_67 : f32 to vector<1x1xf32>
      %swap3A_69 = arith.constant 0 : index
      %swap3A_70 = arith.constant 0 : index
      %swap3A_71 = vector.load %arg7[%swap3A_69, %swap3A_70] : memref<1x1xf32, #tpu.memory_space<vmem>>, vector<1x1xf32>
      tpu.vector_store %arg7[%swap3A_69, %swap3A_70], %broadcast_in_dim3A_68 {strides = array<i32>} : memref<1x1xf32, #tpu.memory_space<vmem>>, vector<1x1xf32>,
    } else {
    }
    %get3A_55 = arith.constant 0 : index
    %get3A_56 = arith.constant 0 : index
    %get3A_57 = vector.load %arg7[%get3A_55, %get3A_56] : memref<1x1xf32, #tpu.memory_space<vmem>>, vector<1x1xf32>
    %add3A_58 = vector.broadcast %reduce_sum3A_52 : f32 to vector<1x1xf32>
    %add3A_59 = arith.addf %get3A_57, %add3A_58 : vector<1x1xf32>
    %swap3A = arith.constant 0 : index
    %swap3A_60 = arith.constant 0 : index
    %swap3A_61 = vector.load %arg7[%swap3A, %swap3A_60] : memref<1x1xf32, #tpu.memory_space<vmem>>, vector<1x1xf32>
    tpu.vector_store %arg7[%swap3A, %swap3A_60], %add3A_59 {strides = array<i32>} : memref<1x1xf32, #tpu.memory_space<vmem>>, vector<1x1xf32>,
    %eq3A_62 = arith.constant 19 : i32
    %eq3A_63 = arith.cmpi eq, %arg0, %eq3A_62 : i32
    %convert_element_type3A_64 = arith.extui %eq3A_63 : i1 to i32
    %cond3A_65 = arith.constant 0 : i32
    %cond3A_66 = arith.cmpi ne, %convert_element_type3A_64, %cond3A_65 : i32
    scf.if %cond3A_66 {
      %get3A_67 = arith.constant 0 : index
      %get3A_68 = arith.constant 0 : index
      %get3A_69 = vector.load %arg7[%get3A_67, %get3A_68] : memref<1x1xf32, #tpu.memory_space<vmem>>, vector<1x1xf32>
      %mul3A_70 = arith.constant 9.99999974E-5 : f32
      %mul3A_71 = vector.broadcast %mul3A_70 : f32 to vector<1x1xf32>
      %mul3A_72 = arith.mulf %get3A_69, %mul3A_71 : vector<1x1xf32>
      %swap3A_73 = arith.constant 0 : index
      %swap3A_74 = arith.constant 0 : index
      %swap3A_75 = vector.load %arg7[%swap3A_73, %swap3A_74] : memref<1x1xf32, #tpu.memory_space<vmem>>, vector<1x1xf32>
      tpu.vector_store %arg7[%swap3A_73, %swap3A_74], %mul3A_72 {strides = array<i32>} : memref<1x1xf32, #tpu.memory_space<vmem>>, vector<1x1xf32>,
    } else {
    }
    return
  }
  func.func @transform_0(%arg0: i32) -> (i32, i32, i32) {
    %c0_i32 = arith.constant 0 : i32
    %c0_i32_0 = arith.constant 0 : i32
    %c0_i32_1 = arith.constant 0 : i32
    return %c0_i32, %arg0, %c0_i32_0 : i32, i32, i32
  }
  func.func @transform_1(%arg0: i32) -> (i32, i32) {
    %c0_i32 = arith.constant 0 : i32
    %c0_i32_0 = arith.constant 0 : i32
    return %arg0, %c0_i32 : i32, i32
  }
  func.func @transform_2(%arg0: i32) -> (i32, i32, i32) {
    %c0_i32 = arith.constant 0 : i32
    %c0_i32_0 = arith.constant 0 : i32
    %c0_i32_1 = arith.constant 0 : i32
    return %c0_i32, %arg0, %c0_i32_0 : i32, i32, i32
  }
  func.func @transform_3(%arg0: i32) -> (i32, i32) {
    %c0_i32 = arith.constant 0 : i32
    %c0_i32_0 = arith.constant 0 : i32
    %c0_i32_1 = arith.constant 0 : i32
    return %c0_i32, %c0_i32_0 : i32, i32
  }
  func.func @transform_4(%arg0: i32) -> (i32, i32) {
    %c0_i32 = arith.constant 0 : i32
    %c0_i32_0 = arith.constant 0 : i32
    %c0_i32_1 = arith.constant 0 : i32
    return %c0_i32, %c0_i32_0 : i32, i32
  }
  func.func @transform_5(%arg0: i32) -> (i32, i32) {
    %c0_i32 = arith.constant 0 : i32
    %c0_i32_0 = arith.constant 0 : i32
    %c0_i32_1 = arith.constant 0 : i32
    return %c0_i32, %c0_i32_0 : i32, i32
  }
  func.func @transform_6(%arg0: i32) -> (i32, i32) {
    %c0_i32 = arith.constant 0 : i32
    %c0_i32_0 = arith.constant 0 : i32
    %c0_i32_1 = arith.constant 0 : i32
    return %c0_i32, %c0_i32_0 : i32, i32
  }
}

</mosaic_0001>

<sc_bundles>
// kernel: kernel.11.cloned.1.call-start
scs
__scs_entry_jumppad:
0x0: {  	(pc) =	sbr.rel $0x88, $3  }
0x1: {  	(tag) =	ssettag $0x0;
	lr =	simm.s32 $0x1  }
0x2: {  	[smem:$0x3F99] =	sst lr;
	_ =	strace $0xD0000000  }
0x3: {  	_ = 	snop  }
0x4: {  	_ = 	snop  }
0x5: {  	_ = 	snop  }
0x6: {  	_ = 	snop  }
0x7: {  	_ = 	snop  }
__scs_overlays_trampoline_lowered:
0x8: {  	[smem:$0x3FA8] =	sst s0  }
0x9: {  	[smem:$0x3FA9] =	sst s1  }
0xa: {  	[smem:$0x3FAA] =	sst s2  }
0xb: {  	[smem:$0x3FAB] =	sst s3  }
0xc: {  	[smem:$0x3FAC] =	sst s4  }
0xd: {  	[smem:$0x3FAD] =	sst s5  }
0xe: {  	[smem:$0x3FAE] =	sst s6  }
0xf: {  	[smem:$0x3FAF] =	sst s7  }
0x10: {  	[smem:$0x3FB0] =	sst s8  }
0x11: {  	[smem:$0x3FB1] =	sst s9;
	s0 =	simm.s32 @!p0 $0x0  }
0x12: {  	s1 =	sld [smem:$0x3F97];
	s0 =	simm.s32 @p0 $0x1  }
0x13: {  	[smem:$0x3FB2] =	sst s0;
	s0 =	simm.s32 @!p1 $0x0  }
0x14: {  	s2 =	sld [smem:$0x3F96];
	s0 =	simm.s32 @p1 $0x1  }
0x15: {  	[smem:$0x3FB3] =	sst s0;
	s0 =	simm.s32 @!p2 $0x0  }
0x16: {  	s3 =	sld [smem:$0x3FDB];
	s0 =	simm.s32 @p2 $0x1  }
0x17: {  	s4 =	simm.s32 $0x1BF5;
	[smem:$0x3FB5] =	sst s0  }
0x18: {  	s0 =	sld [smem:$0x3F98];
	_ =	swait.ge [sflag:s4], $0x0  }
0x19: {  	s7 =	sld [smem:$0x3F99]  }
0x1a: {  	s8 =	sadd.s32 $0xFFFFE003, lr  }
0x1b: {  	s9 =	sadd.s32 $0xFFFFFEF7, lr;
	s5 =	simm.s32 $0xFFFFFFFF;
	p2 =	slt.u32 s8, $0xFFFFF086  }
0x1c: {  	p1 =	slt.u32 s9, $0xF7A;
	s5 =	simm.s32 @!p2 $0x0  }
0x1d: {  	s5 =	simm.s32 @p1 $0x1;
	p0 =	seq.s32 s7, s2  }
0x1e: {  	s7 =	smul.u32 @!p0 $0xF7A, s2;
	p2 =	seq.s32 @!p0 s5, $0x0  }
0x1f: {  	s9 =	smul.u32 $0xF7A, s1;
	s8 =	simm.s32 @!p0 $0x1BF5;
	p2 =	por !p2, p0  }
0x20: {  	[sflag:s8] =	ssyncset.s32 @!p0 $0xFFFFF086;
	s6 =	sadd.s32 @!p0 s3, s7;
	s7 =	simm.s32 @!p0 $0x108  }
0x21: {  	s3 =	sadd.s32 s3, s9;
	s6 =	sadd.s32 @!p0 $0x88, s6;
	s7 =	simm.s32 @p2 $0x1082  }
0x22: {  	[simem:s7], [sflag:s8] =	dma.local @!p0 [hbm:s6], $0xF7A  }
0x23: {  	s9 =	sor.u32 $0xD0000000, s2;
	s6 =	simm.s32 $0x108;
	_ =	swait.ge @!p0 [sflag:s8], $0x0  }
0x24: {  	s3 =	sadd.s32 $0x88, s3;
	s6 =	simm.s32 @!p1 $0x1082;
	[sflag:s4] =	ssyncset.s32 $0xFFFFF086  }
0x25: {  	[simem:s6], [sflag:s4] =	dma.local [hbm:s3], $0xF7A  }
0x26: {  	[smem:$0x3F99] =	sst s1;
	(tag) =	ssettag s2;
	_ =	strace s9  }
0x27: {  	s1 =	sld [smem:$0x3FA9]  }
0x28: {  	s2 =	sld [smem:$0x3FAA]  }
0x29: {  	s4 =	sld [smem:$0x3FAC]  }
0x2a: {  	p0 =	seq.s32 s5, $0x0;
	s5 =	sld [smem:$0x3FAD]  }
0x2b: {  	s6 =	sld [smem:$0x3FAE]  }
0x2c: {  	s7 =	sld [smem:$0x3FAF]  }
0x2d: {  	s3 =	simm.s32 $0x108;
	s8 =	sld [smem:$0x3FB0]  }
0x2e: {  	s3 =	simm.s32 @!p0 $0x1082;
	s9 =	sld [smem:$0x3FB1]  }
0x2f: {  	lr =	sadd.s32 s0, s3;
	s0 =	sld [smem:$0x3FA8]  }
0x30: {  	s3 =	sld [smem:$0x3FAB]  }
0x31: {  	[smem:$0x3FB4] =	sst s10  }
0x32: {  	s10 =	sld [smem:$0x3FB2];
	_ =	sdelay $0x3  }
0x33: {  	p0 =	seq.s32 s10, $0x1;
	s10 =	sld [smem:$0x3FB4];
	_ =	sdelay $0x3  }
0x34: {  	[smem:$0x3FB4] =	sst s10  }
0x35: {  	s10 =	sld [smem:$0x3FB3];
	_ =	sdelay $0x3  }
0x36: {  	p1 =	seq.s32 s10, $0x1;
	s10 =	sld [smem:$0x3FB4];
	_ =	sdelay $0x3  }
0x37: {  	[smem:$0x3FB4] =	sst s10  }
0x38: {  	s10 =	sld [smem:$0x3FB5]  }
0x39: {  	_ = 	snop;
	(pc) =	sbr.ind lr, $3  }
0x3a: {  	_ = 	snop  }
0x3b: {  	_ = 	snop  }
0x3c: {  	p2 =	seq.s32 s10, $0x1;
	s10 =	sld [smem:$0x3FB4]  }
0x3d: {  	_ =	shalt  }
0x3e: {  	_ =	shalt  }
0x3f: {  	_ =	shalt  }
0x40: {  	_ =	shalt  }
0x41: {  	_ =	shalt  }
0x42: {  	_ =	shalt  }
0x43: {  	_ =	shalt  }
0x44: {  	_ =	shalt  }
0x45: {  	_ =	shalt  }
0x46: {  	_ =	shalt  }
0x47: {  	_ =	shalt  }
0x48: {  	_ =	shalt  }
0x49: {  	_ =	shalt  }
0x4a: {  	_ =	shalt  }
0x4b: {  	_ =	shalt  }
0x4c: {  	_ =	shalt  }
0x4d: {  	_ =	shalt  }
0x4e: {  	_ =	shalt  }
0x4f: {  	_ =	shalt  }
0x50: {  	_ =	shalt  }
0x51: {  	_ =	shalt  }
0x52: {  	_ =	shalt  }
0x53: {  	_ =	shalt  }
0x54: {  	_ =	shalt  }
0x55: {  	_ =	shalt  }
0x56: {  	_ =	shalt  }
0x57: {  	_ =	shalt  }
0x58: {  	_ =	shalt  }
0x59: {  	_ =	shalt  }
0x5a: {  	_ =	shalt  }
0x5b: {  	_ =	shalt  }
0x5c: {  	_ =	shalt  }
0x5d: {  	_ =	shalt  }
0x5e: {  	_ =	shalt  }
0x5f: {  	_ =	shalt  }
0x60: {  	_ =	shalt  }
0x61: {  	_ =	shalt  }
0x62: {  	_ =	shalt  }
0x63: {  	_ =	shalt  }
0x64: {  	_ =	shalt  }
0x65: {  	_ =	shalt  }
0x66: {  	_ =	shalt  }
0x67: {  	_ =	shalt  }
0x68: {  	_ =	shalt  }
0x69: {  	_ =	shalt  }
0x6a: {  	_ =	shalt  }
0x6b: {  	_ =	shalt  }
0x6c: {  	_ =	shalt  }
0x6d: {  	_ =	shalt  }
0x6e: {  	_ =	shalt  }
0x6f: {  	_ =	shalt  }
0x70: {  	_ =	shalt  }
0x71: {  	_ =	shalt  }
0x72: {  	_ =	shalt  }
0x73: {  	_ =	shalt  }
0x74: {  	_ =	shalt  }
0x75: {  	_ =	shalt  }
0x76: {  	_ =	shalt  }
0x77: {  	_ =	shalt  }
0x78: {  	_ =	shalt  }
0x79: {  	_ =	shalt  }
0x7a: {  	_ =	shalt  }
0x7b: {  	_ =	shalt  }
0x7c: {  	_ =	shalt  }
0x7d: {  	_ =	shalt  }
0x7e: {  	_ =	shalt  }
0x7f: {  	_ =	shalt  }
0x80: {  	_ =	shalt  }
0x81: {  	_ =	shalt  }
0x82: {  	_ =	shalt  }
0x83: {  	_ =	shalt  }
0x84: {  	_ =	shalt  }
0x85: {  	_ =	shalt  }
0x86: {  	_ =	shalt  }
0x87: {  	_ =	shalt  }
.Lfunc_end0:
.L_simem_size_0:
called_computation.1_lowered:
.L_overlay_start_0:
0x88: {  	s2 =	sld [smem:$0x3FD9]  }
0x89: {  	s3 =	sld [smem:$0x3FFE];
	_ =	sdelay $0x1  }
0x8a: {  	s1 =	srdreg.scid  }
0x8b: {  	s0 =	sand.u32 $0x1, s1  }
0x8c: {  	s16 =	sshll.u32 s0, $0xA;
	s2 =	sadd.s32 s3, s2  }
0x8d: {  	s2 =	sadd.s32 s2, s16  }
0x8e: {  	[smem:$0x3FC0] =	sst s2  }
0x8f: {  	_ = 	snop  }
0x90: {  	(tm) =	ssettm $0x1  }
0x91: {  	s17 =	sld [smem:$0x3FFB];
	_ =	sdelay $0x3  }
0x92: {  	_ =	strace s17  }
0x93: {  	s2 =	sld [smem:$0x3FFC];
	_ =	sdelay $0x3  }
0x94: {  	_ =	strace s2  }
0x95: {  	s2 =	sld [smem:$0x3FFD];
	_ =	sdelay $0x3  }
0x96: {  	_ =	strace s2  }
0x97: {  	_ =	strace $0x8FFFFFFF  }
0x98: {  	s18 =	sld [smem:$0x3FDB];
	_ =	sdelay $0x1  }
0x99: {  	s19 =	simm.s32 $_scs_section_size  }
0x9a: {  	s4 =	simm.s32 $_size__tile_overlayer_lowered;
	s5 =	simm.s32 $_tile_overlayer_lowered  }
0x9b: {  	s22 =	simm.s32 $0x1BFF;
	s21 =	sshll.u32 s5, $0x1;
	s2 =	sadd.s32 s19, s18  }
0x9c: {  	s6 =	simm.s32 $0x0;
	s20 =	sshll.u32 s4, $0x1;
	s4 =	sadd.s32 s21, s2  }
0x9d: {  	[timem:s6], [sflag:s22] =	dma.local [hbm:s4], s20  }
0x9e: {  	_ =	swait.ge [sflag:s22], s20  }
0x9f: {  	s3 =	ssub.s32 $0x0, s20;
	[sflag:s22] =	ssyncset.done $0x0  }
0xa0: {  	[sflag:s22] =	ssyncadd.s32 s3;
	_ =	sdelay $0x1  }
0xa1: {  	s23 =	simm.s32 $0x1B8B  }
0xa2: {  	_ =	swait.ge [sflag:s23], $0x1  }
0xa3: {  	[sflag:s23] =	ssyncset.done $0x0  }
0xa4: {  	s25 =	simm.s32 $0x1B8E;
	s24 =	sld [smem:$0x3FFE];
	[sflag:s23] =	ssyncadd.s32 $0xFFFFFFFF  }
0xa5: {  	s26 =	simm.s32 $execute0_lowered;
	[smem:$0x3FD2] =	sst s25  }
0xa6: {  	s4 =	sshll.u32 s26, $0x1;
	_ =	strace $0x80000049;
	[dreg:$0x1] =	wrdreg $0xFFFFFFFF  }
0xa7: {  	s28 =	simm.s32 $_size_execute0_lowered;
	s2 =	sadd.s32 s2, s4;
	[dreg:$0x0] =	wrdreg $0x0  }
0xa8: {  	s4 =	sshll.u32 s28, $0x1;
	[dreg:$0x2] =	wrdreg s2  }
0xa9: {  	[dreg:$0x3] =	wrdreg s4  }
0xaa: {  	[dreg:$0x4] =	wrdreg $0xC0  }
0xab: {  	_ =	task [dreg:s6], $0x5FFFF  }
0xac: {  	[dreg:$0x1] =	wrdreg $0xFFFFFFFF  }
0xad: {  	[dreg:$0x0] =	wrdreg $0x60  }
0xae: {  	[dreg:$0x2] =	wrdreg s24  }
0xaf: {  	[dreg:$0x3] =	wrdreg $0xA8000  }
0xb0: {  	[dreg:$0x4] =	wrdreg $0x9  }
0xb1: {  	_ =	task.clear_ibuf [dreg:s6], $0x5FFFF;
	_ =	strace $0x90000049  }
0xb2: {  	s29 =	simm.s32 $0x9;
	_ =	strace $0x8000004B  }
0xb3: {  	_ =	swait.ge [sflag:s29], $0x1  }
0xb4: {  	[sflag:s29] =	ssyncadd.s32 $0xFFFFFFFF  }
0xb5: {  	_ =	strace $0x9000004B  }
0xb6: {  	_ =	sfence  }
0xb7: {  	s30 =	sld [smem:$0x0];
	_ =	sdelay $0x2  }
0xb8: {  	s31 =	sshll.u32 s1, $0xD;
	s1 =	sshrl.u32 s1, $0x2  }
0xb9: {  	s3 =	sand.u32 $0x4000, s31;
	s1 =	sadd.s32 s1, s30  }
0xba: {  	s0 =	sor.u32 s3, s0;
	s1 =	sshll.u32 s1, $0x11  }
0xbb: {  	s0 =	sor.u32 s1, s0  }
0xbc: {  	s0 =	sadd.s32 $0x8F2B, s0  }
0xbd: {  	[sflag:s0] =	ssyncadd.remote.s32 $0x1  }
0xbe: {  	_ =	sfence.sel $0xFFFF  }
0xbf: {  	[dreg:$0x0] =	wrdreg $0xFFFFFFFF;
	(pc) =	sbr.abs _section_cstart, $3  }
0xc0: {  	[dreg:$0x1] =	wrdreg $0xFFFFFFFF  }
0xc1: {  	_ =	task.clear_ibuf [dreg:s6], $0x2FFFF;
	_ =	strace $0x9FFFFFFF  }
0xc2: {  	(tm) =	ssettm $0x7FFFFFFF  }
0xc3: {  	_ =	shalt  }
tec
execute0_lowered:
.L_overlay_start_1:
0x0: {  	(tag) =	ssettag $0x1  }
0x1: {  	s5 =	rddreg [dreg:$0x0]  }
0x2: {  	s2 =	rddreg [dreg:$0x1]  }
0x3: {  	s0 =	rddreg [dreg:$0x2];
	s3 =	simm.s32 $0x0  }
0x4: {  	s1 =	stileid.u32;
	s4 =	srdreg.scid;
	s17 =	simm.s32 $0x2800  }
0x5: {  	s18 =	simm.s32 $0x6800;
	s19 =	simm.s32 $0x1;
	s20 =	simm.s32 $0x2  }
0x6: {  	s21 =	simm.s32 $0x1380;
	s22 =	simm.s32 $0x2700;
	s23 =	simm.s32 $0x2780  }
0x7: {  	s24 =	simm.s32 $0x0;
	[smem:$0x7FF] =	sst s3;
	s6 =	smul.u32 $0x14000, s1  }
0x8: {  	s7 =	sand.u32 $0x1, s4;
	s4 =	sadd.s32 $0x16600, s5;
	s10 =	sadd.s32 $0x2600, s5  }
0x9: {  	s11 =	sadd.s32 $0xC600, s5;
	s25 =	sshll.u32 s1, $0x1;
	s12 =	smul.u32 $0x50000, s1  }
0xa: {  	s28 =	sshll.u32 s1, $0x6;
	_ =	strace $0x8000004A;
	s9 =	smul.u32 $0x140000, s7  }
0xb: {  	s13 =	ssub.s32 $0x2, s7;
	s7 =	sor.u32 s7, s25;
	s8 =	sshrl.u32 s6, $0x3  }
0xc: {  	s26 =	sshrl.u32 s13, $0x1;
	s12 =	sshrl.u32 s12, $0x2;
	s14 =	smul.u32 $0x2800, s7  }
0xd: {  	s29 =	smul.u32 $0x500, s7;
	s8 =	sadd.s32 s8, s5;
	s6 =	sadd.s32 s6, s9  }
0xe: {  	s13 =	ssub.s32 s13, s26;
	s16 =	sadd.s32 s12, s2;
	s6 =	sshrl.u32 s6, $0x3  }
0xf: {  	s30 =	sshrl.u32 s14, $0x3;
	s7 =	sadd.s32 s10, s29;
	s12 =	smax.u32 s13, $0x1  }
0x10: {  	s13 =	sshrl.u32 s16, $0x3;
	s14 =	simm.s32 $0x3;
	s16 =	simm.s32 $0x80  }
0x11: {  	s15 =	sadd.s32 s6, s5;
	s5 =	sadd.s32 $0x8E600, s8;
	s31 =	sadd.s32 $0x280, s30  }
0x12: {  	s6 =	sor.u32 $0x1C03, s28;
	s8 =	sadd.s32 s11, s29;
	s9 =	sadd.s32 s10, s31  }
0x13: {  	s10 =	sadd.s32 s11, s31;
	s11 =	sadd.s32 $0xB6600, s15;
	s15 =	simm.s32 $0x1400  }
.LBB2_1:
0x14: {  	[spmem:s13], [sflag:s6] =	dma.local [hbm:s5], $0x2800  }
0x15: {  	_ =	swait.ge [sflag:s14], $0x2800  }
0x16: {  	[sflag:s14] =	ssyncset.done $0x0  }
0x17: {  	[sflag:s14] =	ssyncadd.s32 $0xFFFFD800  }
0x18: {  	[bflag:$0x0] =	sbarrier.arrive $0xFFFF  }
0x19: {  	[tilespmem:s3], [sflag:$0x3] =	stream.linear.gather [hbm4b:s7+s3], $0x1400, $0x38;
	[tilespmem:$0x1E800] =	vst v63  }
0x1a: {  	_ =	swait.ge [sflag:s14], $0x1400  }
0x1b: {  	[sflag:s14] =	ssyncset.done $0x0  }
0x1c: {  	[sflag:s14] =	ssyncadd.s32 $0xFFFFEC00  }
0x1d: {  	[tilespmem:s15], [sflag:$0x3] =	stream.linear.gather [hbm4b:s8+s3], $0x1400, $0x38;
	[tilespmem:$0x1E800] =	vst v63  }
0x1e: {  	_ =	swait.ge [sflag:s14], $0x1400  }
0x1f: {  	[sflag:s14] =	ssyncset.done $0x0  }
0x20: {  	[sflag:s14] =	ssyncadd.s32 $0xFFFFEC00  }
0x21: {  	[tilespmem:s17], [sflag:$0x1] =	stream.indirect.gather [hbm4b:s4+s16], $0x80, s3, s16, $0xb8;
	[tilespmem:$0x1E800] =	vst v63  }
0x22: {  	s25 =	simm.s32 $0x80  }
0x23: {  	[tilespmem:s18], [sflag:$0x2] =	stream.indirect.gather [hbm4b:s4+s16], $0x80, s25, s16, $0xb8;
	[tilespmem:$0x1E800] =	vst v63  }
0x24: {  	_ =	swait.ge [sflag:s19], $0x4000  }
0x25: {  	[sflag:s19] =	ssyncset.done $0x0  }
0x26: {  	s29 =	simm.s32 $0x1400;
	[sflag:s19] =	ssyncadd.s32 $0xFFFFC000  }
0x27: {  	[spmem:s2] =	stream.indirect.scatter.add.f32 [tilespmem:s17], [sflag:$0x3], $0x80, s29, s16, $0xb8;
	[tilespmem:$0x1E800] =	vst v63  }
0x28: {  	_ =	swait.ge [sflag:s14], $0x4000  }
0x29: {  	[sflag:s14] =	ssyncset.done $0x0  }
0x2a: {  	s30 =	simm.s32 $0x100;
	[sflag:s14] =	ssyncadd.s32 $0xFFFFC000  }
0x2b: {  	[tilespmem:s17], [sflag:$0x1] =	stream.indirect.gather [hbm4b:s4+s16], $0x80, s30, s16, $0xb8;
	[tilespmem:$0x1E800] =	vst v63  }
0x2c: {  	_ =	swait.ge [sflag:s20], $0x4000  }
0x2d: {  	[sflag:s20] =	ssyncset.done $0x0  }
0x2e: {  	s31 =	simm.s32 $0x1480;
	[sflag:s20] =	ssyncadd.s32 $0xFFFFC000  }
0x2f: {  	[spmem:s2] =	stream.indirect.scatter.add.f32 [tilespmem:s18], [sflag:$0x3], $0x80, s31, s16, $0xb8;
	[tilespmem:$0x1E800] =	vst v63  }
0x30: {  	_ =	swait.ge [sflag:s14], $0x4000  }
0x31: {  	s26 =	simm.s32 $0x800;
	s25 =	simm.s32 $0x100;
	[sflag:s14] =	ssyncset.done $0x0  }
.LBB2_2:
0x32: {  	s28 =	sadd.s32 $0x80, s25  }
0x33: {  	[sflag:s14] =	ssyncadd.s32 $0xFFFFC000;
	s29 =	smov.u32 s26;
	s30 =	sadd.s32 $0x400, s26  }
0x34: {  	[tilespmem:s18], [sflag:$0x2] =	stream.indirect.gather [hbm4b:s4+s16], $0x80, s28, s16, $0xb8;
	[tilespmem:$0x1E800] =	vst v63  }
0x35: {  	p0 =	sne.s32 s26, $0x4800;
	_ =	swait.ge [sflag:s19], $0x4000  }
0x36: {  	[sflag:s19] =	ssyncset.done $0x0  }
0x37: {  	s26 =	sadd.s32 $0x1400, s25;
	[sflag:s19] =	ssyncadd.s32 $0xFFFFC000  }
0x38: {  	[spmem:s2] =	stream.indirect.scatter.add.f32 [tilespmem:s17], [sflag:$0x3], $0x80, s26, s16, $0xb8;
	[tilespmem:$0x1E800] =	vst v63  }
0x39: {  	_ =	swait.ge [sflag:s14], $0x4000  }
0x3a: {  	[sflag:s14] =	ssyncset.done $0x0  }
0x3b: {  	s26 =	sadd.s32 $0x100, s25;
	[sflag:s14] =	ssyncadd.s32 $0xFFFFC000  }
0x3c: {  	[tilespmem:s17], [sflag:$0x1] =	stream.indirect.gather [hbm4b:s4+s16], $0x80, s26, s16, $0xb8;
	[tilespmem:$0x1E800] =	vst v63  }
0x3d: {  	_ =	swait.ge [sflag:s20], $0x4000  }
.Ltmp0:
0x3e: {  	[sflag:s20] =	ssyncset.done $0x0;
	(pc) =	sbr.rel @p0 .LBB2_2-.Ltmp0, $4  }
0x3f: {  	s25 =	sadd.s32 $0x1480, s25;
	[sflag:s20] =	ssyncadd.s32 $0xFFFFC000  }
0x40: {  	[spmem:s2] =	stream.indirect.scatter.add.f32 [tilespmem:s18], [sflag:$0x3], $0x80, s25, s16, $0xb8;
	[tilespmem:$0x1E800] =	vst v63  }
0x41: {  	_ =	swait.ge [sflag:s14], $0x4000  }
0x42: {  	s26 =	smov.u32 s30;
	s25 =	sshra.s32 s29, $0x2;
	[sflag:s14] =	ssyncset.done $0x0  }
0x43: {  	s26 =	sadd.s32 $0x80, s25;
	[sflag:s14] =	ssyncadd.s32 $0xFFFFC000  }
0x44: {  	[tilespmem:s18], [sflag:$0x2] =	stream.indirect.gather [hbm4b:s4+s16], $0x80, s26, s16, $0xb8;
	[tilespmem:$0x1E800] =	vst v63  }
0x45: {  	_ =	swait.ge [sflag:s19], $0x4000  }
0x46: {  	[sflag:s19] =	ssyncset.done $0x0  }
0x47: {  	s29 =	sadd.s32 $0x1400, s25;
	[sflag:s19] =	ssyncadd.s32 $0xFFFFC000  }
0x48: {  	[spmem:s2] =	stream.indirect.scatter.add.f32 [tilespmem:s17], [sflag:$0x3], $0x80, s29, s16, $0xb8;
	[tilespmem:$0x1E800] =	vst v63  }
0x49: {  	_ =	swait.ge [sflag:s14], $0x4000  }
0x4a: {  	[sflag:s14] =	ssyncset.done $0x0  }
0x4b: {  	s30 =	sadd.s32 $0x100, s25;
	[sflag:s14] =	ssyncadd.s32 $0xFFFFC000  }
0x4c: {  	[tilespmem:s17], [sflag:$0x1] =	stream.indirect.gather [hbm4b:s4+s16], $0x80, s30, s16, $0xb8;
	[tilespmem:$0x1E800] =	vst v63  }
0x4d: {  	_ =	swait.ge [sflag:s20], $0x4000  }
0x4e: {  	[sflag:s20] =	ssyncset.done $0x0  }
0x4f: {  	s31 =	sadd.s32 $0x1480, s25;
	[sflag:s20] =	ssyncadd.s32 $0xFFFFC000  }
0x50: {  	[spmem:s2] =	stream.indirect.scatter.add.f32 [tilespmem:s18], [sflag:$0x3], $0x80, s31, s16, $0xb8;
	[tilespmem:$0x1E800] =	vst v63  }
0x51: {  	_ =	swait.ge [sflag:s14], $0x4000  }
0x52: {  	[sflag:s14] =	ssyncset.done $0x0  }
0x53: {  	[sflag:s14] =	ssyncadd.s32 $0xFFFFC000  }
0x54: {  	[tilespmem:s18], [sflag:$0x2] =	stream.indirect.gather [hbm4b:s4+s16], $0x80, s21, s16, $0xb8;
	[tilespmem:$0x1E800] =	vst v63  }
0x55: {  	_ =	swait.ge [sflag:s19], $0x4000  }
0x56: {  	[sflag:s19] =	ssyncset.done $0x0  }
0x57: {  	[sflag:s19] =	ssyncadd.s32 $0xFFFFC000  }
0x58: {  	[spmem:s2] =	stream.indirect.scatter.add.f32 [tilespmem:s17], [sflag:$0x3], $0x80, s22, s16, $0xb8;
	[tilespmem:$0x1E800] =	vst v63  }
0x59: {  	_ =	swait.ge [sflag:s14], $0x4000  }
0x5a: {  	[sflag:s14] =	ssyncset.done $0x0  }
0x5b: {  	[sflag:s14] =	ssyncadd.s32 $0xFFFFC000  }
0x5c: {  	_ =	swait.ge [sflag:s20], $0x4000  }
0x5d: {  	[sflag:s20] =	ssyncset.done $0x0  }
0x5e: {  	[sflag:s20] =	ssyncadd.s32 $0xFFFFC000  }
0x5f: {  	[spmem:s2] =	stream.indirect.scatter.add.f32 [tilespmem:s18], [sflag:$0x3], $0x80, s23, s16, $0xb8;
	[tilespmem:$0x1E800] =	vst v63  }
0x60: {  	_ =	swait.ge [sflag:s14], $0x4000  }
0x61: {  	[sflag:s14] =	ssyncset.done $0x0  }
0x62: {  	s26 =	simm.s32 $0x0;
	[sflag:s14] =	ssyncadd.s32 $0xFFFFC000  }
0x63: {  	[tilespmem:s26], [sflag:$0x3] =	stream.linear.gather [hbm4b:s9+s26], $0x1400, $0x38;
	[tilespmem:$0x1E800] =	vst v63  }
0x64: {  	_ =	swait.ge [sflag:s14], $0x1400  }
0x65: {  	[sflag:s14] =	ssyncset.done $0x0  }
0x66: {  	[sflag:s14] =	ssyncadd.s32 $0xFFFFEC00  }
0x67: {  	[tilespmem:s15], [sflag:$0x3] =	stream.linear.gather [hbm4b:s10+s26], $0x1400, $0x38;
	[tilespmem:$0x1E800] =	vst v63  }
0x68: {  	_ =	swait.ge [sflag:s14], $0x1400  }
0x69: {  	[sflag:s14] =	ssyncset.done $0x0  }
0x6a: {  	[sflag:s14] =	ssyncadd.s32 $0xFFFFEC00  }
0x6b: {  	[tilespmem:s17], [sflag:$0x1] =	stream.indirect.gather [hbm4b:s4+s16], $0x80, s26, s16, $0xb8;
	[tilespmem:$0x1E800] =	vst v63  }
0x6c: {  	s28 =	simm.s32 $0x80  }
0x6d: {  	[tilespmem:s18], [sflag:$0x2] =	stream.indirect.gather [hbm4b:s4+s16], $0x80, s28, s16, $0xb8;
	[tilespmem:$0x1E800] =	vst v63  }
0x6e: {  	_ =	swait.ge [sflag:s19], $0x4000  }
0x6f: {  	[sflag:s19] =	ssyncset.done $0x0  }
0x70: {  	s29 =	simm.s32 $0x1400;
	[sflag:s19] =	ssyncadd.s32 $0xFFFFC000  }
0x71: {  	[spmem:s2] =	stream.indirect.scatter.add.f32 [tilespmem:s17], [sflag:$0x3], $0x80, s29, s16, $0xb8;
	[tilespmem:$0x1E800] =	vst v63  }
0x72: {  	_ =	swait.ge [sflag:s14], $0x4000  }
0x73: {  	[sflag:s14] =	ssyncset.done $0x0  }
0x74: {  	s30 =	simm.s32 $0x100;
	[sflag:s14] =	ssyncadd.s32 $0xFFFFC000  }
0x75: {  	[tilespmem:s17], [sflag:$0x1] =	stream.indirect.gather [hbm4b:s4+s16], $0x80, s30, s16, $0xb8;
	[tilespmem:$0x1E800] =	vst v63  }
0x76: {  	_ =	swait.ge [sflag:s20], $0x4000  }
0x77: {  	[sflag:s20] =	ssyncset.done $0x0  }
0x78: {  	s31 =	simm.s32 $0x1480;
	[sflag:s20] =	ssyncadd.s32 $0xFFFFC000  }
0x79: {  	[spmem:s2] =	stream.indirect.scatter.add.f32 [tilespmem:s18], [sflag:$0x3], $0x80, s31, s16, $0xb8;
	[tilespmem:$0x1E800] =	vst v63  }
0x7a: {  	_ =	swait.ge [sflag:s14], $0x4000  }
0x7b: {  	s25 =	simm.s32 $0x100;
	s26 =	simm.s32 $0x800;
	[sflag:s14] =	ssyncset.done $0x0  }
.LBB2_4:
0x7c: {  	s28 =	sadd.s32 $0x80, s25  }
0x7d: {  	[sflag:s14] =	ssyncadd.s32 $0xFFFFC000;
	s29 =	smov.u32 s26;
	s30 =	sadd.s32 $0x400, s26  }
0x7e: {  	[tilespmem:s18], [sflag:$0x2] =	stream.indirect.gather [hbm4b:s4+s16], $0x80, s28, s16, $0xb8;
	[tilespmem:$0x1E800] =	vst v63  }
0x7f: {  	p0 =	sne.s32 s26, $0x4800;
	_ =	swait.ge [sflag:s19], $0x4000  }
0x80: {  	[sflag:s19] =	ssyncset.done $0x0  }
0x81: {  	s26 =	sadd.s32 $0x1400, s25;
	[sflag:s19] =	ssyncadd.s32 $0xFFFFC000  }
0x82: {  	[spmem:s2] =	stream.indirect.scatter.add.f32 [tilespmem:s17], [sflag:$0x3], $0x80, s26, s16, $0xb8;
	[tilespmem:$0x1E800] =	vst v63  }
0x83: {  	_ =	swait.ge [sflag:s14], $0x4000  }
0x84: {  	[sflag:s14] =	ssyncset.done $0x0  }
0x85: {  	s26 =	sadd.s32 $0x100, s25;
	[sflag:s14] =	ssyncadd.s32 $0xFFFFC000  }
0x86: {  	[tilespmem:s17], [sflag:$0x1] =	stream.indirect.gather [hbm4b:s4+s16], $0x80, s26, s16, $0xb8;
	[tilespmem:$0x1E800] =	vst v63  }
0x87: {  	_ =	swait.ge [sflag:s20], $0x4000  }
.Ltmp1:
0x88: {  	[sflag:s20] =	ssyncset.done $0x0;
	(pc) =	sbr.rel @p0 .LBB2_4-.Ltmp1, $4  }
0x89: {  	s25 =	sadd.s32 $0x1480, s25;
	[sflag:s20] =	ssyncadd.s32 $0xFFFFC000  }
0x8a: {  	[spmem:s2] =	stream.indirect.scatter.add.f32 [tilespmem:s18], [sflag:$0x3], $0x80, s25, s16, $0xb8;
	[tilespmem:$0x1E800] =	vst v63  }
0x8b: {  	_ =	swait.ge [sflag:s14], $0x4000  }
0x8c: {  	s26 =	smov.u32 s30;
	s25 =	sshra.s32 s29, $0x2;
	[sflag:s14] =	ssyncset.done $0x0  }
0x8d: {  	s26 =	sadd.s32 $0x80, s25;
	[sflag:s14] =	ssyncadd.s32 $0xFFFFC000  }
0x8e: {  	[tilespmem:s18], [sflag:$0x2] =	stream.indirect.gather [hbm4b:s4+s16], $0x80, s26, s16, $0xb8;
	[tilespmem:$0x1E800] =	vst v63  }
0x8f: {  	_ =	swait.ge [sflag:s19], $0x4000  }
0x90: {  	[sflag:s19] =	ssyncset.done $0x0  }
0x91: {  	s29 =	sadd.s32 $0x1400, s25;
	[sflag:s19] =	ssyncadd.s32 $0xFFFFC000  }
0x92: {  	[spmem:s2] =	stream.indirect.scatter.add.f32 [tilespmem:s17], [sflag:$0x3], $0x80, s29, s16, $0xb8;
	[tilespmem:$0x1E800] =	vst v63  }
0x93: {  	_ =	swait.ge [sflag:s14], $0x4000  }
0x94: {  	[sflag:s14] =	ssyncset.done $0x0  }
0x95: {  	s30 =	sadd.s32 $0x100, s25;
	[sflag:s14] =	ssyncadd.s32 $0xFFFFC000  }
0x96: {  	[tilespmem:s17], [sflag:$0x1] =	stream.indirect.gather [hbm4b:s4+s16], $0x80, s30, s16, $0xb8;
	[tilespmem:$0x1E800] =	vst v63  }
0x97: {  	_ =	swait.ge [sflag:s20], $0x4000  }
0x98: {  	[sflag:s20] =	ssyncset.done $0x0  }
0x99: {  	s31 =	sadd.s32 $0x1480, s25;
	[sflag:s20] =	ssyncadd.s32 $0xFFFFC000  }
0x9a: {  	[spmem:s2] =	stream.indirect.scatter.add.f32 [tilespmem:s18], [sflag:$0x3], $0x80, s31, s16, $0xb8;
	[tilespmem:$0x1E800] =	vst v63  }
0x9b: {  	_ =	swait.ge [sflag:s14], $0x4000  }
0x9c: {  	[sflag:s14] =	ssyncset.done $0x0  }
0x9d: {  	[sflag:s14] =	ssyncadd.s32 $0xFFFFC000  }
0x9e: {  	[tilespmem:s18], [sflag:$0x2] =	stream.indirect.gather [hbm4b:s4+s16], $0x80, s21, s16, $0xb8;
	[tilespmem:$0x1E800] =	vst v63  }
0x9f: {  	_ =	swait.ge [sflag:s19], $0x4000  }
0xa0: {  	[sflag:s19] =	ssyncset.done $0x0  }
0xa1: {  	[sflag:s19] =	ssyncadd.s32 $0xFFFFC000  }
0xa2: {  	[spmem:s2] =	stream.indirect.scatter.add.f32 [tilespmem:s17], [sflag:$0x3], $0x80, s22, s16, $0xb8;
	[tilespmem:$0x1E800] =	vst v63  }
0xa3: {  	_ =	swait.ge [sflag:s14], $0x4000  }
0xa4: {  	[sflag:s14] =	ssyncset.done $0x0  }
0xa5: {  	[sflag:s14] =	ssyncadd.s32 $0xFFFFC000  }
0xa6: {  	_ =	swait.ge [sflag:s20], $0x4000  }
0xa7: {  	[sflag:s20] =	ssyncset.done $0x0  }
0xa8: {  	[sflag:s20] =	ssyncadd.s32 $0xFFFFC000  }
0xa9: {  	[spmem:s2] =	stream.indirect.scatter.add.f32 [tilespmem:s18], [sflag:$0x3], $0x80, s23, s16, $0xb8;
	[tilespmem:$0x1E800] =	vst v63  }
0xaa: {  	_ =	swait.ge [sflag:s14], $0x4000  }
0xab: {  	s24 =	sadd.s32 $0x1, s24;
	[sflag:s14] =	ssyncset.done $0x0  }
0xac: {  	p0 =	sne.s32 s24, s12;
	[sflag:s14] =	ssyncadd.s32 $0xFFFFC000  }
.Ltmp2:
0xad: {  	[bflag:$0x0] =	sbarrier.arrive $0xFFFF;
	(pc) =	sbr.rel @p0 .LBB2_1-.Ltmp2, $4  }
0xae: {  	[hbm:s11], [sflag:s6] =	dma.local [spmem:s13], $0x2800  }
0xaf: {  	_ =	swait.ge [sflag:s14], $0x2800  }
0xb0: {  	[sflag:s14] =	ssyncset.done $0x0  }
0xb1: {  	[sflag:s14] =	ssyncadd.s32 $0xFFFFD800  }
0xb2: {  	_ =	sfence.sel $0x180000  }
0xb3: {  	[bflag:$0x0] =	sbarrier.arrive $0xFFFF  }
0xb4: {  	p0 =	sne.s32 s1, $0x0;
	_ =	strace $0x9000004A  }
0xb5: {  	s0 =	sadd.s32 @!p0 $0x100000, s0;
	[bflag:$0x2] =	sbarrier.arrive $0xFFFF  }
0xb6: {  	[sflag:s0] =	ssyncadd.tile.s32 @!p0 $0x1;
	_ =	shalt  }
.Lfunc_end2:
_tile_overlayer_lowered:
.L_overlay_start_2:
0xb7: {  	(tag) =	ssettag $0x2  }
0xb8: {  	s0 =	rddreg [dreg:$0x0];
	s2 =	stileid.u32  }
0xb9: {  	s1 =	rddreg [dreg:$0x1];
	p0 =	sne.s32 s2, $0x0  }
0xba: {  	s3 =	rddreg [dreg:$0x2];
	[bflag:$0x3] =	sbarrier.arrive $0xFFFF;
	s2 =	simm.s32 @!p0 $0x1C03  }
0xbb: {  	[timem:s3], [sflag:s2] =	dma.local @!p0 [hbm:s0], s1  }
0xbc: {  	s0 =	simm.s32 @!p0 $0x3  }
0xbd: {  	_ =	swait.ge @!p0 [sflag:s0], s1  }
0xbe: {  	s1 =	ssub.s32 @!p0 $0x0, s1;
	[sflag:s0] =	ssyncset.done @!p0 $0x0  }
0xbf: {  	[sflag:s0] =	ssyncadd.s32 @!p0 s1  }
0xc0: {  	[bflag:$0x3] =	sbarrier.arrive $0xFFFF  }
0xc1: {  	_ =	shalt  }

// kernel: kernel.14.cloned.1.call-start
scs
__scs_entry_jumppad:
0x0: {  	(pc) =	sbr.rel $0x88, $3  }
0x1: {  	(tag) =	ssettag $0x0;
	lr =	simm.s32 $0x1  }
0x2: {  	[smem:$0x3F99] =	sst lr;
	_ =	strace $0xD0000000  }
0x3: {  	_ = 	snop  }
0x4: {  	_ = 	snop  }
0x5: {  	_ = 	snop  }
0x6: {  	_ = 	snop  }
0x7: {  	_ = 	snop  }
__scs_overlays_trampoline_lowered:
0x8: {  	[smem:$0x3FA8] =	sst s0  }
0x9: {  	[smem:$0x3FA9] =	sst s1  }
0xa: {  	[smem:$0x3FAA] =	sst s2  }
0xb: {  	[smem:$0x3FAB] =	sst s3  }
0xc: {  	[smem:$0x3FAC] =	sst s4  }
0xd: {  	[smem:$0x3FAD] =	sst s5  }
0xe: {  	[smem:$0x3FAE] =	sst s6  }
0xf: {  	[smem:$0x3FAF] =	sst s7  }
0x10: {  	[smem:$0x3FB0] =	sst s8  }
0x11: {  	[smem:$0x3FB1] =	sst s9;
	s0 =	simm.s32 @!p0 $0x0  }
0x12: {  	s1 =	sld [smem:$0x3F97];
	s0 =	simm.s32 @p0 $0x1  }
0x13: {  	[smem:$0x3FB2] =	sst s0;
	s0 =	simm.s32 @!p1 $0x0  }
0x14: {  	s2 =	sld [smem:$0x3F96];
	s0 =	simm.s32 @p1 $0x1  }
0x15: {  	[smem:$0x3FB3] =	sst s0;
	s0 =	simm.s32 @!p2 $0x0  }
0x16: {  	s3 =	sld [smem:$0x3FDB];
	s0 =	simm.s32 @p2 $0x1  }
0x17: {  	s4 =	simm.s32 $0x1BF5;
	[smem:$0x3FB5] =	sst s0  }
0x18: {  	s0 =	sld [smem:$0x3F98];
	_ =	swait.ge [sflag:s4], $0x0  }
0x19: {  	s7 =	sld [smem:$0x3F99]  }
0x1a: {  	s8 =	sadd.s32 $0xFFFFE003, lr  }
0x1b: {  	s9 =	sadd.s32 $0xFFFFFEF7, lr;
	s5 =	simm.s32 $0xFFFFFFFF;
	p2 =	slt.u32 s8, $0xFFFFF086  }
0x1c: {  	p1 =	slt.u32 s9, $0xF7A;
	s5 =	simm.s32 @!p2 $0x0  }
0x1d: {  	s5 =	simm.s32 @p1 $0x1;
	p0 =	seq.s32 s7, s2  }
0x1e: {  	s7 =	smul.u32 @!p0 $0xF7A, s2;
	p2 =	seq.s32 @!p0 s5, $0x0  }
0x1f: {  	s9 =	smul.u32 $0xF7A, s1;
	s8 =	simm.s32 @!p0 $0x1BF5;
	p2 =	por !p2, p0  }
0x20: {  	[sflag:s8] =	ssyncset.s32 @!p0 $0xFFFFF086;
	s6 =	sadd.s32 @!p0 s3, s7;
	s7 =	simm.s32 @!p0 $0x108  }
0x21: {  	s3 =	sadd.s32 s3, s9;
	s6 =	sadd.s32 @!p0 $0x88, s6;
	s7 =	simm.s32 @p2 $0x1082  }
0x22: {  	[simem:s7], [sflag:s8] =	dma.local @!p0 [hbm:s6], $0xF7A  }
0x23: {  	s9 =	sor.u32 $0xD0000000, s2;
	s6 =	simm.s32 $0x108;
	_ =	swait.ge @!p0 [sflag:s8], $0x0  }
0x24: {  	s3 =	sadd.s32 $0x88, s3;
	s6 =	simm.s32 @!p1 $0x1082;
	[sflag:s4] =	ssyncset.s32 $0xFFFFF086  }
0x25: {  	[simem:s6], [sflag:s4] =	dma.local [hbm:s3], $0xF7A  }
0x26: {  	[smem:$0x3F99] =	sst s1;
	(tag) =	ssettag s2;
	_ =	strace s9  }
0x27: {  	s1 =	sld [smem:$0x3FA9]  }
0x28: {  	s2 =	sld [smem:$0x3FAA]  }
0x29: {  	s4 =	sld [smem:$0x3FAC]  }
0x2a: {  	p0 =	seq.s32 s5, $0x0;
	s5 =	sld [smem:$0x3FAD]  }
0x2b: {  	s6 =	sld [smem:$0x3FAE]  }
0x2c: {  	s7 =	sld [smem:$0x3FAF]  }
0x2d: {  	s3 =	simm.s32 $0x108;
	s8 =	sld [smem:$0x3FB0]  }
0x2e: {  	s3 =	simm.s32 @!p0 $0x1082;
	s9 =	sld [smem:$0x3FB1]  }
0x2f: {  	lr =	sadd.s32 s0, s3;
	s0 =	sld [smem:$0x3FA8]  }
0x30: {  	s3 =	sld [smem:$0x3FAB]  }
0x31: {  	[smem:$0x3FB4] =	sst s10  }
0x32: {  	s10 =	sld [smem:$0x3FB2];
	_ =	sdelay $0x3  }
0x33: {  	p0 =	seq.s32 s10, $0x1;
	s10 =	sld [smem:$0x3FB4];
	_ =	sdelay $0x3  }
0x34: {  	[smem:$0x3FB4] =	sst s10  }
0x35: {  	s10 =	sld [smem:$0x3FB3];
	_ =	sdelay $0x3  }
0x36: {  	p1 =	seq.s32 s10, $0x1;
	s10 =	sld [smem:$0x3FB4];
	_ =	sdelay $0x3  }
0x37: {  	[smem:$0x3FB4] =	sst s10  }
0x38: {  	s10 =	sld [smem:$0x3FB5]  }
0x39: {  	_ = 	snop;
	(pc) =	sbr.ind lr, $3  }
0x3a: {  	_ = 	snop  }
0x3b: {  	_ = 	snop  }
0x3c: {  	p2 =	seq.s32 s10, $0x1;
	s10 =	sld [smem:$0x3FB4]  }
0x3d: {  	_ =	shalt  }
0x3e: {  	_ =	shalt  }
0x3f: {  	_ =	shalt  }
0x40: {  	_ =	shalt  }
0x41: {  	_ =	shalt  }
0x42: {  	_ =	shalt  }
0x43: {  	_ =	shalt  }
0x44: {  	_ =	shalt  }
0x45: {  	_ =	shalt  }
0x46: {  	_ =	shalt  }
0x47: {  	_ =	shalt  }
0x48: {  	_ =	shalt  }
0x49: {  	_ =	shalt  }
0x4a: {  	_ =	shalt  }
0x4b: {  	_ =	shalt  }
0x4c: {  	_ =	shalt  }
0x4d: {  	_ =	shalt  }
0x4e: {  	_ =	shalt  }
0x4f: {  	_ =	shalt  }
0x50: {  	_ =	shalt  }
0x51: {  	_ =	shalt  }
0x52: {  	_ =	shalt  }
0x53: {  	_ =	shalt  }
0x54: {  	_ =	shalt  }
0x55: {  	_ =	shalt  }
0x56: {  	_ =	shalt  }
0x57: {  	_ =	shalt  }
0x58: {  	_ =	shalt  }
0x59: {  	_ =	shalt  }
0x5a: {  	_ =	shalt  }
0x5b: {  	_ =	shalt  }
0x5c: {  	_ =	shalt  }
0x5d: {  	_ =	shalt  }
0x5e: {  	_ =	shalt  }
0x5f: {  	_ =	shalt  }
0x60: {  	_ =	shalt  }
0x61: {  	_ =	shalt  }
0x62: {  	_ =	shalt  }
0x63: {  	_ =	shalt  }
0x64: {  	_ =	shalt  }
0x65: {  	_ =	shalt  }
0x66: {  	_ =	shalt  }
0x67: {  	_ =	shalt  }
0x68: {  	_ =	shalt  }
0x69: {  	_ =	shalt  }
0x6a: {  	_ =	shalt  }
0x6b: {  	_ =	shalt  }
0x6c: {  	_ =	shalt  }
0x6d: {  	_ =	shalt  }
0x6e: {  	_ =	shalt  }
0x6f: {  	_ =	shalt  }
0x70: {  	_ =	shalt  }
0x71: {  	_ =	shalt  }
0x72: {  	_ =	shalt  }
0x73: {  	_ =	shalt  }
0x74: {  	_ =	shalt  }
0x75: {  	_ =	shalt  }
0x76: {  	_ =	shalt  }
0x77: {  	_ =	shalt  }
0x78: {  	_ =	shalt  }
0x79: {  	_ =	shalt  }
0x7a: {  	_ =	shalt  }
0x7b: {  	_ =	shalt  }
0x7c: {  	_ =	shalt  }
0x7d: {  	_ =	shalt  }
0x7e: {  	_ =	shalt  }
0x7f: {  	_ =	shalt  }
0x80: {  	_ =	shalt  }
0x81: {  	_ =	shalt  }
0x82: {  	_ =	shalt  }
0x83: {  	_ =	shalt  }
0x84: {  	_ =	shalt  }
0x85: {  	_ =	shalt  }
0x86: {  	_ =	shalt  }
0x87: {  	_ =	shalt  }
.Lfunc_end0:
.L_simem_size_0:
called_computation.2_lowered:
.L_overlay_start_0:
0x88: {  	s2 =	sld [smem:$0x3FD9]  }
0x89: {  	s3 =	sld [smem:$0x3FFE];
	_ =	sdelay $0x1  }
0x8a: {  	s1 =	srdreg.scid  }
0x8b: {  	s0 =	sand.u32 $0x1, s1  }
0x8c: {  	s16 =	sshll.u32 s0, $0xA;
	s2 =	sadd.s32 s3, s2  }
0x8d: {  	s2 =	sadd.s32 s2, s16  }
0x8e: {  	[smem:$0x3FC0] =	sst s2  }
0x8f: {  	_ = 	snop  }
0x90: {  	(tm) =	ssettm $0x1  }
0x91: {  	s17 =	sld [smem:$0x3FFB];
	_ =	sdelay $0x3  }
0x92: {  	_ =	strace s17  }
0x93: {  	s2 =	sld [smem:$0x3FFC];
	_ =	sdelay $0x3  }
0x94: {  	_ =	strace s2  }
0x95: {  	s2 =	sld [smem:$0x3FFD];
	_ =	sdelay $0x3  }
0x96: {  	_ =	strace s2  }
0x97: {  	_ =	strace $0x8FFFFFFF  }
0x98: {  	s18 =	sld [smem:$0x3FDB];
	_ =	sdelay $0x1  }
0x99: {  	s19 =	simm.s32 $_scs_section_size  }
0x9a: {  	s4 =	simm.s32 $_size__tile_overlayer_lowered;
	s5 =	simm.s32 $_tile_overlayer_lowered  }
0x9b: {  	s22 =	simm.s32 $0x1BFF;
	s21 =	sshll.u32 s5, $0x1;
	s2 =	sadd.s32 s19, s18  }
0x9c: {  	s6 =	simm.s32 $0x0;
	s20 =	sshll.u32 s4, $0x1;
	s4 =	sadd.s32 s21, s2  }
0x9d: {  	[timem:s6], [sflag:s22] =	dma.local [hbm:s4], s20  }
0x9e: {  	_ =	swait.ge [sflag:s22], s20  }
0x9f: {  	s3 =	ssub.s32 $0x0, s20;
	[sflag:s22] =	ssyncset.done $0x0  }
0xa0: {  	[sflag:s22] =	ssyncadd.s32 s3;
	_ =	sdelay $0x1  }
0xa1: {  	s23 =	simm.s32 $0x1B8B  }
0xa2: {  	_ =	swait.ge [sflag:s23], $0x1  }
0xa3: {  	[sflag:s23] =	ssyncset.done $0x0  }
0xa4: {  	s25 =	simm.s32 $0x1B8E;
	s24 =	sld [smem:$0x3FFE];
	[sflag:s23] =	ssyncadd.s32 $0xFFFFFFFF  }
0xa5: {  	s26 =	simm.s32 $execute0_lowered;
	[smem:$0x3FD2] =	sst s25  }
0xa6: {  	s4 =	sshll.u32 s26, $0x1;
	_ =	strace $0x8000004C;
	[dreg:$0x1] =	wrdreg $0xFFFFFFFF  }
0xa7: {  	s28 =	simm.s32 $_size_execute0_lowered;
	s2 =	sadd.s32 s2, s4;
	[dreg:$0x0] =	wrdreg $0x0  }
0xa8: {  	s4 =	sshll.u32 s28, $0x1;
	[dreg:$0x2] =	wrdreg s2  }
0xa9: {  	[dreg:$0x3] =	wrdreg s4  }
0xaa: {  	[dreg:$0x4] =	wrdreg $0xC0  }
0xab: {  	_ =	task [dreg:s6], $0x5FFFF  }
0xac: {  	[dreg:$0x1] =	wrdreg $0xFFFFFFFF  }
0xad: {  	[dreg:$0x0] =	wrdreg $0x60  }
0xae: {  	[dreg:$0x2] =	wrdreg s24  }
0xaf: {  	[dreg:$0x3] =	wrdreg $0xA8000  }
0xb0: {  	[dreg:$0x4] =	wrdreg $0x9  }
0xb1: {  	_ =	task.clear_ibuf [dreg:s6], $0x5FFFF;
	_ =	strace $0x9000004C  }
0xb2: {  	s29 =	simm.s32 $0x9;
	_ =	strace $0x8000004E  }
0xb3: {  	_ =	swait.ge [sflag:s29], $0x1  }
0xb4: {  	[sflag:s29] =	ssyncadd.s32 $0xFFFFFFFF  }
0xb5: {  	_ =	strace $0x9000004E  }
0xb6: {  	_ =	sfence  }
0xb7: {  	s30 =	sld [smem:$0x0];
	_ =	sdelay $0x2  }
0xb8: {  	s31 =	sshll.u32 s1, $0xD;
	s1 =	sshrl.u32 s1, $0x2  }
0xb9: {  	s3 =	sand.u32 $0x4000, s31;
	s1 =	sadd.s32 s1, s30  }
0xba: {  	s0 =	sor.u32 s3, s0;
	s1 =	sshll.u32 s1, $0x11  }
0xbb: {  	s0 =	sor.u32 s1, s0  }
0xbc: {  	s0 =	sadd.s32 $0x8F2B, s0  }
0xbd: {  	[sflag:s0] =	ssyncadd.remote.s32 $0x1  }
0xbe: {  	_ =	sfence.sel $0xFFFF  }
0xbf: {  	[dreg:$0x0] =	wrdreg $0xFFFFFFFF;
	(pc) =	sbr.abs _section_cstart, $3  }
0xc0: {  	[dreg:$0x1] =	wrdreg $0xFFFFFFFF  }
0xc1: {  	_ =	task.clear_ibuf [dreg:s6], $0x2FFFF;
	_ =	strace $0x9FFFFFFF  }
0xc2: {  	(tm) =	ssettm $0x7FFFFFFF  }
0xc3: {  	_ =	shalt  }
tec
execute0_lowered:
.L_overlay_start_1:
0x0: {  	(tag) =	ssettag $0x1  }
0x1: {  	s5 =	rddreg [dreg:$0x0]  }
0x2: {  	s2 =	rddreg [dreg:$0x1]  }
0x3: {  	s0 =	rddreg [dreg:$0x2];
	s3 =	simm.s32 $0x0  }
0x4: {  	s1 =	stileid.u32;
	s4 =	srdreg.scid;
	s17 =	simm.s32 $0x2800  }
0x5: {  	s18 =	simm.s32 $0x6800;
	s19 =	simm.s32 $0x1;
	s20 =	simm.s32 $0x2  }
0x6: {  	s21 =	simm.s32 $0x1380;
	s22 =	simm.s32 $0x2700;
	s23 =	simm.s32 $0x2780  }
0x7: {  	s24 =	simm.s32 $0x0;
	[smem:$0x7FF] =	sst s3;
	s6 =	smul.u32 $0x14000, s1  }
0x8: {  	s7 =	sand.u32 $0x1, s4;
	s4 =	sadd.s32 $0x16600, s5;
	s10 =	sadd.s32 $0x2600, s5  }
0x9: {  	s11 =	sadd.s32 $0xC600, s5;
	s25 =	sshll.u32 s1, $0x1;
	s12 =	smul.u32 $0x50000, s1  }
0xa: {  	s28 =	sshll.u32 s1, $0x6;
	_ =	strace $0x8000004D;
	s9 =	smul.u32 $0x140000, s7  }
0xb: {  	s13 =	ssub.s32 $0x2, s7;
	s7 =	sor.u32 s7, s25;
	s8 =	sshrl.u32 s6, $0x3  }
0xc: {  	s26 =	sshrl.u32 s13, $0x1;
	s12 =	sshrl.u32 s12, $0x2;
	s14 =	smul.u32 $0x2800, s7  }
0xd: {  	s29 =	smul.u32 $0x500, s7;
	s8 =	sadd.s32 s8, s5;
	s6 =	sadd.s32 s6, s9  }
0xe: {  	s13 =	ssub.s32 s13, s26;
	s16 =	sadd.s32 s12, s2;
	s6 =	sshrl.u32 s6, $0x3  }
0xf: {  	s30 =	sshrl.u32 s14, $0x3;
	s7 =	sadd.s32 s10, s29;
	s12 =	smax.u32 s13, $0x1  }
0x10: {  	s13 =	sshrl.u32 s16, $0x3;
	s14 =	simm.s32 $0x3;
	s16 =	simm.s32 $0x80  }
0x11: {  	s15 =	sadd.s32 s6, s5;
	s5 =	sadd.s32 $0x8E600, s8;
	s31 =	sadd.s32 $0x280, s30  }
0x12: {  	s6 =	sor.u32 $0x1C03, s28;
	s8 =	sadd.s32 s11, s29;
	s9 =	sadd.s32 s10, s31  }
0x13: {  	s10 =	sadd.s32 s11, s31;
	s11 =	sadd.s32 $0xB6600, s15;
	s15 =	simm.s32 $0x1400  }
.LBB2_1:
0x14: {  	[spmem:s13], [sflag:s6] =	dma.local [hbm:s5], $0x2800  }
0x15: {  	_ =	swait.ge [sflag:s14], $0x2800  }
0x16: {  	[sflag:s14] =	ssyncset.done $0x0  }
0x17: {  	[sflag:s14] =	ssyncadd.s32 $0xFFFFD800  }
0x18: {  	[bflag:$0x0] =	sbarrier.arrive $0xFFFF  }
0x19: {  	[tilespmem:s3], [sflag:$0x3] =	stream.linear.gather [hbm4b:s7+s3], $0x1400, $0x38;
	[tilespmem:$0x1E800] =	vst v63  }
0x1a: {  	_ =	swait.ge [sflag:s14], $0x1400  }
0x1b: {  	[sflag:s14] =	ssyncset.done $0x0  }
0x1c: {  	[sflag:s14] =	ssyncadd.s32 $0xFFFFEC00  }
0x1d: {  	[tilespmem:s15], [sflag:$0x3] =	stream.linear.gather [hbm4b:s8+s3], $0x1400, $0x38;
	[tilespmem:$0x1E800] =	vst v63  }
0x1e: {  	_ =	swait.ge [sflag:s14], $0x1400  }
0x1f: {  	[sflag:s14] =	ssyncset.done $0x0  }
0x20: {  	[sflag:s14] =	ssyncadd.s32 $0xFFFFEC00  }
0x21: {  	[tilespmem:s17], [sflag:$0x1] =	stream.indirect.gather [hbm4b:s4+s16], $0x80, s3, s16, $0xb8;
	[tilespmem:$0x1E800] =	vst v63  }
0x22: {  	s25 =	simm.s32 $0x80  }
0x23: {  	[tilespmem:s18], [sflag:$0x2] =	stream.indirect.gather [hbm4b:s4+s16], $0x80, s25, s16, $0xb8;
	[tilespmem:$0x1E800] =	vst v63  }
0x24: {  	_ =	swait.ge [sflag:s19], $0x4000  }
0x25: {  	[sflag:s19] =	ssyncset.done $0x0  }
0x26: {  	s29 =	simm.s32 $0x1400;
	[sflag:s19] =	ssyncadd.s32 $0xFFFFC000  }
0x27: {  	[spmem:s2] =	stream.indirect.scatter.add.f32 [tilespmem:s17], [sflag:$0x3], $0x80, s29, s16, $0xb8;
	[tilespmem:$0x1E800] =	vst v63  }
0x28: {  	_ =	swait.ge [sflag:s14], $0x4000  }
0x29: {  	[sflag:s14] =	ssyncset.done $0x0  }
0x2a: {  	s30 =	simm.s32 $0x100;
	[sflag:s14] =	ssyncadd.s32 $0xFFFFC000  }
0x2b: {  	[tilespmem:s17], [sflag:$0x1] =	stream.indirect.gather [hbm4b:s4+s16], $0x80, s30, s16, $0xb8;
	[tilespmem:$0x1E800] =	vst v63  }
0x2c: {  	_ =	swait.ge [sflag:s20], $0x4000  }
0x2d: {  	[sflag:s20] =	ssyncset.done $0x0  }
0x2e: {  	s31 =	simm.s32 $0x1480;
	[sflag:s20] =	ssyncadd.s32 $0xFFFFC000  }
0x2f: {  	[spmem:s2] =	stream.indirect.scatter.add.f32 [tilespmem:s18], [sflag:$0x3], $0x80, s31, s16, $0xb8;
	[tilespmem:$0x1E800] =	vst v63  }
0x30: {  	_ =	swait.ge [sflag:s14], $0x4000  }
0x31: {  	s26 =	simm.s32 $0x800;
	s25 =	simm.s32 $0x100;
	[sflag:s14] =	ssyncset.done $0x0  }
.LBB2_2:
0x32: {  	s28 =	sadd.s32 $0x80, s25  }
0x33: {  	[sflag:s14] =	ssyncadd.s32 $0xFFFFC000;
	s29 =	smov.u32 s26;
	s30 =	sadd.s32 $0x400, s26  }
0x34: {  	[tilespmem:s18], [sflag:$0x2] =	stream.indirect.gather [hbm4b:s4+s16], $0x80, s28, s16, $0xb8;
	[tilespmem:$0x1E800] =	vst v63  }
0x35: {  	p0 =	sne.s32 s26, $0x4800;
	_ =	swait.ge [sflag:s19], $0x4000  }
0x36: {  	[sflag:s19] =	ssyncset.done $0x0  }
0x37: {  	s26 =	sadd.s32 $0x1400, s25;
	[sflag:s19] =	ssyncadd.s32 $0xFFFFC000  }
0x38: {  	[spmem:s2] =	stream.indirect.scatter.add.f32 [tilespmem:s17], [sflag:$0x3], $0x80, s26, s16, $0xb8;
	[tilespmem:$0x1E800] =	vst v63  }
0x39: {  	_ =	swait.ge [sflag:s14], $0x4000  }
0x3a: {  	[sflag:s14] =	ssyncset.done $0x0  }
0x3b: {  	s26 =	sadd.s32 $0x100, s25;
	[sflag:s14] =	ssyncadd.s32 $0xFFFFC000  }
0x3c: {  	[tilespmem:s17], [sflag:$0x1] =	stream.indirect.gather [hbm4b:s4+s16], $0x80, s26, s16, $0xb8;
	[tilespmem:$0x1E800] =	vst v63  }
0x3d: {  	_ =	swait.ge [sflag:s20], $0x4000  }
.Ltmp0:
0x3e: {  	[sflag:s20] =	ssyncset.done $0x0;
	(pc) =	sbr.rel @p0 .LBB2_2-.Ltmp0, $4  }
0x3f: {  	s25 =	sadd.s32 $0x1480, s25;
	[sflag:s20] =	ssyncadd.s32 $0xFFFFC000  }
0x40: {  	[spmem:s2] =	stream.indirect.scatter.add.f32 [tilespmem:s18], [sflag:$0x3], $0x80, s25, s16, $0xb8;
	[tilespmem:$0x1E800] =	vst v63  }
0x41: {  	_ =	swait.ge [sflag:s14], $0x4000  }
0x42: {  	s26 =	smov.u32 s30;
	s25 =	sshra.s32 s29, $0x2;
	[sflag:s14] =	ssyncset.done $0x0  }
0x43: {  	s26 =	sadd.s32 $0x80, s25;
	[sflag:s14] =	ssyncadd.s32 $0xFFFFC000  }
0x44: {  	[tilespmem:s18], [sflag:$0x2] =	stream.indirect.gather [hbm4b:s4+s16], $0x80, s26, s16, $0xb8;
	[tilespmem:$0x1E800] =	vst v63  }
0x45: {  	_ =	swait.ge [sflag:s19], $0x4000  }
0x46: {  	[sflag:s19] =	ssyncset.done $0x0  }
0x47: {  	s29 =	sadd.s32 $0x1400, s25;
	[sflag:s19] =	ssyncadd.s32 $0xFFFFC000  }
0x48: {  	[spmem:s2] =	stream.indirect.scatter.add.f32 [tilespmem:s17], [sflag:$0x3], $0x80, s29, s16, $0xb8;
	[tilespmem:$0x1E800] =	vst v63  }
0x49: {  	_ =	swait.ge [sflag:s14], $0x4000  }
0x4a: {  	[sflag:s14] =	ssyncset.done $0x0  }
0x4b: {  	s30 =	sadd.s32 $0x100, s25;
	[sflag:s14] =	ssyncadd.s32 $0xFFFFC000  }
0x4c: {  	[tilespmem:s17], [sflag:$0x1] =	stream.indirect.gather [hbm4b:s4+s16], $0x80, s30, s16, $0xb8;
	[tilespmem:$0x1E800] =	vst v63  }
0x4d: {  	_ =	swait.ge [sflag:s20], $0x4000  }
0x4e: {  	[sflag:s20] =	ssyncset.done $0x0  }
0x4f: {  	s31 =	sadd.s32 $0x1480, s25;
	[sflag:s20] =	ssyncadd.s32 $0xFFFFC000  }
0x50: {  	[spmem:s2] =	stream.indirect.scatter.add.f32 [tilespmem:s18], [sflag:$0x3], $0x80, s31, s16, $0xb8;
	[tilespmem:$0x1E800] =	vst v63  }
0x51: {  	_ =	swait.ge [sflag:s14], $0x4000  }
0x52: {  	[sflag:s14] =	ssyncset.done $0x0  }
0x53: {  	[sflag:s14] =	ssyncadd.s32 $0xFFFFC000  }
0x54: {  	[tilespmem:s18], [sflag:$0x2] =	stream.indirect.gather [hbm4b:s4+s16], $0x80, s21, s16, $0xb8;
	[tilespmem:$0x1E800] =	vst v63  }
0x55: {  	_ =	swait.ge [sflag:s19], $0x4000  }
0x56: {  	[sflag:s19] =	ssyncset.done $0x0  }
0x57: {  	[sflag:s19] =	ssyncadd.s32 $0xFFFFC000  }
0x58: {  	[spmem:s2] =	stream.indirect.scatter.add.f32 [tilespmem:s17], [sflag:$0x3], $0x80, s22, s16, $0xb8;
	[tilespmem:$0x1E800] =	vst v63  }
0x59: {  	_ =	swait.ge [sflag:s14], $0x4000  }
0x5a: {  	[sflag:s14] =	ssyncset.done $0x0  }
0x5b: {  	[sflag:s14] =	ssyncadd.s32 $0xFFFFC000  }
0x5c: {  	_ =	swait.ge [sflag:s20], $0x4000  }
0x5d: {  	[sflag:s20] =	ssyncset.done $0x0  }
0x5e: {  	[sflag:s20] =	ssyncadd.s32 $0xFFFFC000  }
0x5f: {  	[spmem:s2] =	stream.indirect.scatter.add.f32 [tilespmem:s18], [sflag:$0x3], $0x80, s23, s16, $0xb8;
	[tilespmem:$0x1E800] =	vst v63  }
0x60: {  	_ =	swait.ge [sflag:s14], $0x4000  }
0x61: {  	[sflag:s14] =	ssyncset.done $0x0  }
0x62: {  	s26 =	simm.s32 $0x0;
	[sflag:s14] =	ssyncadd.s32 $0xFFFFC000  }
0x63: {  	[tilespmem:s26], [sflag:$0x3] =	stream.linear.gather [hbm4b:s9+s26], $0x1400, $0x38;
	[tilespmem:$0x1E800] =	vst v63  }
0x64: {  	_ =	swait.ge [sflag:s14], $0x1400  }
0x65: {  	[sflag:s14] =	ssyncset.done $0x0  }
0x66: {  	[sflag:s14] =	ssyncadd.s32 $0xFFFFEC00  }
0x67: {  	[tilespmem:s15], [sflag:$0x3] =	stream.linear.gather [hbm4b:s10+s26], $0x1400, $0x38;
	[tilespmem:$0x1E800] =	vst v63  }
0x68: {  	_ =	swait.ge [sflag:s14], $0x1400  }
0x69: {  	[sflag:s14] =	ssyncset.done $0x0  }
0x6a: {  	[sflag:s14] =	ssyncadd.s32 $0xFFFFEC00  }
0x6b: {  	[tilespmem:s17], [sflag:$0x1] =	stream.indirect.gather [hbm4b:s4+s16], $0x80, s26, s16, $0xb8;
	[tilespmem:$0x1E800] =	vst v63  }
0x6c: {  	s28 =	simm.s32 $0x80  }
0x6d: {  	[tilespmem:s18], [sflag:$0x2] =	stream.indirect.gather [hbm4b:s4+s16], $0x80, s28, s16, $0xb8;
	[tilespmem:$0x1E800] =	vst v63  }
0x6e: {  	_ =	swait.ge [sflag:s19], $0x4000  }
0x6f: {  	[sflag:s19] =	ssyncset.done $0x0  }
0x70: {  	s29 =	simm.s32 $0x1400;
	[sflag:s19] =	ssyncadd.s32 $0xFFFFC000  }
0x71: {  	[spmem:s2] =	stream.indirect.scatter.add.f32 [tilespmem:s17], [sflag:$0x3], $0x80, s29, s16, $0xb8;
	[tilespmem:$0x1E800] =	vst v63  }
0x72: {  	_ =	swait.ge [sflag:s14], $0x4000  }
0x73: {  	[sflag:s14] =	ssyncset.done $0x0  }
0x74: {  	s30 =	simm.s32 $0x100;
	[sflag:s14] =	ssyncadd.s32 $0xFFFFC000  }
0x75: {  	[tilespmem:s17], [sflag:$0x1] =	stream.indirect.gather [hbm4b:s4+s16], $0x80, s30, s16, $0xb8;
	[tilespmem:$0x1E800] =	vst v63  }
0x76: {  	_ =	swait.ge [sflag:s20], $0x4000  }
0x77: {  	[sflag:s20] =	ssyncset.done $0x0  }
0x78: {  	s31 =	simm.s32 $0x1480;
	[sflag:s20] =	ssyncadd.s32 $0xFFFFC000  }
0x79: {  	[spmem:s2] =	stream.indirect.scatter.add.f32 [tilespmem:s18], [sflag:$0x3], $0x80, s31, s16, $0xb8;
	[tilespmem:$0x1E800] =	vst v63  }
0x7a: {  	_ =	swait.ge [sflag:s14], $0x4000  }
0x7b: {  	s25 =	simm.s32 $0x100;
	s26 =	simm.s32 $0x800;
	[sflag:s14] =	ssyncset.done $0x0  }
.LBB2_4:
0x7c: {  	s28 =	sadd.s32 $0x80, s25  }
0x7d: {  	[sflag:s14] =	ssyncadd.s32 $0xFFFFC000;
	s29 =	smov.u32 s26;
	s30 =	sadd.s32 $0x400, s26  }
0x7e: {  	[tilespmem:s18], [sflag:$0x2] =	stream.indirect.gather [hbm4b:s4+s16], $0x80, s28, s16, $0xb8;
	[tilespmem:$0x1E800] =	vst v63  }
0x7f: {  	p0 =	sne.s32 s26, $0x4800;
	_ =	swait.ge [sflag:s19], $0x4000  }
0x80: {  	[sflag:s19] =	ssyncset.done $0x0  }
0x81: {  	s26 =	sadd.s32 $0x1400, s25;
	[sflag:s19] =	ssyncadd.s32 $0xFFFFC000  }
0x82: {  	[spmem:s2] =	stream.indirect.scatter.add.f32 [tilespmem:s17], [sflag:$0x3], $0x80, s26, s16, $0xb8;
	[tilespmem:$0x1E800] =	vst v63  }
0x83: {  	_ =	swait.ge [sflag:s14], $0x4000  }
0x84: {  	[sflag:s14] =	ssyncset.done $0x0  }
0x85: {  	s26 =	sadd.s32 $0x100, s25;
	[sflag:s14] =	ssyncadd.s32 $0xFFFFC000  }
0x86: {  	[tilespmem:s17], [sflag:$0x1] =	stream.indirect.gather [hbm4b:s4+s16], $0x80, s26, s16, $0xb8;
	[tilespmem:$0x1E800] =	vst v63  }
0x87: {  	_ =	swait.ge [sflag:s20], $0x4000  }
.Ltmp1:
0x88: {  	[sflag:s20] =	ssyncset.done $0x0;
	(pc) =	sbr.rel @p0 .LBB2_4-.Ltmp1, $4  }
0x89: {  	s25 =	sadd.s32 $0x1480, s25;
	[sflag:s20] =	ssyncadd.s32 $0xFFFFC000  }
0x8a: {  	[spmem:s2] =	stream.indirect.scatter.add.f32 [tilespmem:s18], [sflag:$0x3], $0x80, s25, s16, $0xb8;
	[tilespmem:$0x1E800] =	vst v63  }
0x8b: {  	_ =	swait.ge [sflag:s14], $0x4000  }
0x8c: {  	s26 =	smov.u32 s30;
	s25 =	sshra.s32 s29, $0x2;
	[sflag:s14] =	ssyncset.done $0x0  }
0x8d: {  	s26 =	sadd.s32 $0x80, s25;
	[sflag:s14] =	ssyncadd.s32 $0xFFFFC000  }
0x8e: {  	[tilespmem:s18], [sflag:$0x2] =	stream.indirect.gather [hbm4b:s4+s16], $0x80, s26, s16, $0xb8;
	[tilespmem:$0x1E800] =	vst v63  }
0x8f: {  	_ =	swait.ge [sflag:s19], $0x4000  }
0x90: {  	[sflag:s19] =	ssyncset.done $0x0  }
0x91: {  	s29 =	sadd.s32 $0x1400, s25;
	[sflag:s19] =	ssyncadd.s32 $0xFFFFC000  }
0x92: {  	[spmem:s2] =	stream.indirect.scatter.add.f32 [tilespmem:s17], [sflag:$0x3], $0x80, s29, s16, $0xb8;
	[tilespmem:$0x1E800] =	vst v63  }
0x93: {  	_ =	swait.ge [sflag:s14], $0x4000  }
0x94: {  	[sflag:s14] =	ssyncset.done $0x0  }
0x95: {  	s30 =	sadd.s32 $0x100, s25;
	[sflag:s14] =	ssyncadd.s32 $0xFFFFC000  }
0x96: {  	[tilespmem:s17], [sflag:$0x1] =	stream.indirect.gather [hbm4b:s4+s16], $0x80, s30, s16, $0xb8;
	[tilespmem:$0x1E800] =	vst v63  }
0x97: {  	_ =	swait.ge [sflag:s20], $0x4000  }
0x98: {  	[sflag:s20] =	ssyncset.done $0x0  }
0x99: {  	s31 =	sadd.s32 $0x1480, s25;
	[sflag:s20] =	ssyncadd.s32 $0xFFFFC000  }
0x9a: {  	[spmem:s2] =	stream.indirect.scatter.add.f32 [tilespmem:s18], [sflag:$0x3], $0x80, s31, s16, $0xb8;
	[tilespmem:$0x1E800] =	vst v63  }
0x9b: {  	_ =	swait.ge [sflag:s14], $0x4000  }
0x9c: {  	[sflag:s14] =	ssyncset.done $0x0  }
0x9d: {  	[sflag:s14] =	ssyncadd.s32 $0xFFFFC000  }
0x9e: {  	[tilespmem:s18], [sflag:$0x2] =	stream.indirect.gather [hbm4b:s4+s16], $0x80, s21, s16, $0xb8;
	[tilespmem:$0x1E800] =	vst v63  }
0x9f: {  	_ =	swait.ge [sflag:s19], $0x4000  }
0xa0: {  	[sflag:s19] =	ssyncset.done $0x0  }
0xa1: {  	[sflag:s19] =	ssyncadd.s32 $0xFFFFC000  }
0xa2: {  	[spmem:s2] =	stream.indirect.scatter.add.f32 [tilespmem:s17], [sflag:$0x3], $0x80, s22, s16, $0xb8;
	[tilespmem:$0x1E800] =	vst v63  }
0xa3: {  	_ =	swait.ge [sflag:s14], $0x4000  }
0xa4: {  	[sflag:s14] =	ssyncset.done $0x0  }
0xa5: {  	[sflag:s14] =	ssyncadd.s32 $0xFFFFC000  }
0xa6: {  	_ =	swait.ge [sflag:s20], $0x4000  }
0xa7: {  	[sflag:s20] =	ssyncset.done $0x0  }
0xa8: {  	[sflag:s20] =	ssyncadd.s32 $0xFFFFC000  }
0xa9: {  	[spmem:s2] =	stream.indirect.scatter.add.f32 [tilespmem:s18], [sflag:$0x3], $0x80, s23, s16, $0xb8;
	[tilespmem:$0x1E800] =	vst v63  }
0xaa: {  	_ =	swait.ge [sflag:s14], $0x4000  }
0xab: {  	s24 =	sadd.s32 $0x1, s24;
	[sflag:s14] =	ssyncset.done $0x0  }
0xac: {  	p0 =	sne.s32 s24, s12;
	[sflag:s14] =	ssyncadd.s32 $0xFFFFC000  }
.Ltmp2:
0xad: {  	[bflag:$0x0] =	sbarrier.arrive $0xFFFF;
	(pc) =	sbr.rel @p0 .LBB2_1-.Ltmp2, $4  }
0xae: {  	[hbm:s11], [sflag:s6] =	dma.local [spmem:s13], $0x2800  }
0xaf: {  	_ =	swait.ge [sflag:s14], $0x2800  }
0xb0: {  	[sflag:s14] =	ssyncset.done $0x0  }
0xb1: {  	[sflag:s14] =	ssyncadd.s32 $0xFFFFD800  }
0xb2: {  	_ =	sfence.sel $0x180000  }
0xb3: {  	[bflag:$0x0] =	sbarrier.arrive $0xFFFF  }
0xb4: {  	p0 =	sne.s32 s1, $0x0;
	_ =	strace $0x9000004D  }
0xb5: {  	s0 =	sadd.s32 @!p0 $0x100000, s0;
	[bflag:$0x2] =	sbarrier.arrive $0xFFFF  }
0xb6: {  	[sflag:s0] =	ssyncadd.tile.s32 @!p0 $0x1;
	_ =	shalt  }
.Lfunc_end2:
_tile_overlayer_lowered:
.L_overlay_start_2:
0xb7: {  	(tag) =	ssettag $0x2  }
0xb8: {  	s0 =	rddreg [dreg:$0x0];
	s2 =	stileid.u32  }
0xb9: {  	s1 =	rddreg [dreg:$0x1];
	p0 =	sne.s32 s2, $0x0  }
0xba: {  	s3 =	rddreg [dreg:$0x2];
	[bflag:$0x3] =	sbarrier.arrive $0xFFFF;
	s2 =	simm.s32 @!p0 $0x1C03  }
0xbb: {  	[timem:s3], [sflag:s2] =	dma.local @!p0 [hbm:s0], s1  }
0xbc: {  	s0 =	simm.s32 @!p0 $0x3  }
0xbd: {  	_ =	swait.ge @!p0 [sflag:s0], s1  }
0xbe: {  	s1 =	ssub.s32 @!p0 $0x0, s1;
	[sflag:s0] =	ssyncset.done @!p0 $0x0  }
0xbf: {  	[sflag:s0] =	ssyncadd.s32 @!p0 s1  }
0xc0: {  	[bflag:$0x3] =	sbarrier.arrive $0xFFFF  }
0xc1: {  	_ =	shalt  }

// kernel: kernel.8.cloned.1.call-start
scs
__scs_entry_jumppad:
0x0: {  	(pc) =	sbr.rel $0x88, $3  }
0x1: {  	(tag) =	ssettag $0x0;
	lr =	simm.s32 $0x1  }
0x2: {  	[smem:$0x3F99] =	sst lr;
	_ =	strace $0xD0000000  }
0x3: {  	_ = 	snop  }
0x4: {  	_ = 	snop  }
0x5: {  	_ = 	snop  }
0x6: {  	_ = 	snop  }
0x7: {  	_ = 	snop  }
__scs_overlays_trampoline_lowered:
0x8: {  	[smem:$0x3FA8] =	sst s0  }
0x9: {  	[smem:$0x3FA9] =	sst s1  }
0xa: {  	[smem:$0x3FAA] =	sst s2  }
0xb: {  	[smem:$0x3FAB] =	sst s3  }
0xc: {  	[smem:$0x3FAC] =	sst s4  }
0xd: {  	[smem:$0x3FAD] =	sst s5  }
0xe: {  	[smem:$0x3FAE] =	sst s6  }
0xf: {  	[smem:$0x3FAF] =	sst s7  }
0x10: {  	[smem:$0x3FB0] =	sst s8  }
0x11: {  	[smem:$0x3FB1] =	sst s9;
	s0 =	simm.s32 @!p0 $0x0  }
0x12: {  	s1 =	sld [smem:$0x3F97];
	s0 =	simm.s32 @p0 $0x1  }
0x13: {  	[smem:$0x3FB2] =	sst s0;
	s0 =	simm.s32 @!p1 $0x0  }
0x14: {  	s2 =	sld [smem:$0x3F96];
	s0 =	simm.s32 @p1 $0x1  }
0x15: {  	[smem:$0x3FB3] =	sst s0;
	s0 =	simm.s32 @!p2 $0x0  }
0x16: {  	s3 =	sld [smem:$0x3FDB];
	s0 =	simm.s32 @p2 $0x1  }
0x17: {  	s4 =	simm.s32 $0x1BF5;
	[smem:$0x3FB5] =	sst s0  }
0x18: {  	s0 =	sld [smem:$0x3F98];
	_ =	swait.ge [sflag:s4], $0x0  }
0x19: {  	s7 =	sld [smem:$0x3F99]  }
0x1a: {  	s8 =	sadd.s32 $0xFFFFE003, lr  }
0x1b: {  	s9 =	sadd.s32 $0xFFFFFEF7, lr;
	s5 =	simm.s32 $0xFFFFFFFF;
	p2 =	slt.u32 s8, $0xFFFFF086  }
0x1c: {  	p1 =	slt.u32 s9, $0xF7A;
	s5 =	simm.s32 @!p2 $0x0  }
0x1d: {  	s5 =	simm.s32 @p1 $0x1;
	p0 =	seq.s32 s7, s2  }
0x1e: {  	s7 =	smul.u32 @!p0 $0xF7A, s2;
	p2 =	seq.s32 @!p0 s5, $0x0  }
0x1f: {  	s9 =	smul.u32 $0xF7A, s1;
	s8 =	simm.s32 @!p0 $0x1BF5;
	p2 =	por !p2, p0  }
0x20: {  	[sflag:s8] =	ssyncset.s32 @!p0 $0xFFFFF086;
	s6 =	sadd.s32 @!p0 s3, s7;
	s7 =	simm.s32 @!p0 $0x108  }
0x21: {  	s3 =	sadd.s32 s3, s9;
	s6 =	sadd.s32 @!p0 $0x88, s6;
	s7 =	simm.s32 @p2 $0x1082  }
0x22: {  	[simem:s7], [sflag:s8] =	dma.local @!p0 [hbm:s6], $0xF7A  }
0x23: {  	s9 =	sor.u32 $0xD0000000, s2;
	s6 =	simm.s32 $0x108;
	_ =	swait.ge @!p0 [sflag:s8], $0x0  }
0x24: {  	s3 =	sadd.s32 $0x88, s3;
	s6 =	simm.s32 @!p1 $0x1082;
	[sflag:s4] =	ssyncset.s32 $0xFFFFF086  }
0x25: {  	[simem:s6], [sflag:s4] =	dma.local [hbm:s3], $0xF7A  }
0x26: {  	[smem:$0x3F99] =	sst s1;
	(tag) =	ssettag s2;
	_ =	strace s9  }
0x27: {  	s1 =	sld [smem:$0x3FA9]  }
0x28: {  	s2 =	sld [smem:$0x3FAA]  }
0x29: {  	s4 =	sld [smem:$0x3FAC]  }
0x2a: {  	p0 =	seq.s32 s5, $0x0;
	s5 =	sld [smem:$0x3FAD]  }
0x2b: {  	s6 =	sld [smem:$0x3FAE]  }
0x2c: {  	s7 =	sld [smem:$0x3FAF]  }
0x2d: {  	s3 =	simm.s32 $0x108;
	s8 =	sld [smem:$0x3FB0]  }
0x2e: {  	s3 =	simm.s32 @!p0 $0x1082;
	s9 =	sld [smem:$0x3FB1]  }
0x2f: {  	lr =	sadd.s32 s0, s3;
	s0 =	sld [smem:$0x3FA8]  }
0x30: {  	s3 =	sld [smem:$0x3FAB]  }
0x31: {  	[smem:$0x3FB4] =	sst s10  }
0x32: {  	s10 =	sld [smem:$0x3FB2];
	_ =	sdelay $0x3  }
0x33: {  	p0 =	seq.s32 s10, $0x1;
	s10 =	sld [smem:$0x3FB4];
	_ =	sdelay $0x3  }
0x34: {  	[smem:$0x3FB4] =	sst s10  }
0x35: {  	s10 =	sld [smem:$0x3FB3];
	_ =	sdelay $0x3  }
0x36: {  	p1 =	seq.s32 s10, $0x1;
	s10 =	sld [smem:$0x3FB4];
	_ =	sdelay $0x3  }
0x37: {  	[smem:$0x3FB4] =	sst s10  }
0x38: {  	s10 =	sld [smem:$0x3FB5]  }
0x39: {  	_ = 	snop;
	(pc) =	sbr.ind lr, $3  }
0x3a: {  	_ = 	snop  }
0x3b: {  	_ = 	snop  }
0x3c: {  	p2 =	seq.s32 s10, $0x1;
	s10 =	sld [smem:$0x3FB4]  }
0x3d: {  	_ =	shalt  }
0x3e: {  	_ =	shalt  }
0x3f: {  	_ =	shalt  }
0x40: {  	_ =	shalt  }
0x41: {  	_ =	shalt  }
0x42: {  	_ =	shalt  }
0x43: {  	_ =	shalt  }
0x44: {  	_ =	shalt  }
0x45: {  	_ =	shalt  }
0x46: {  	_ =	shalt  }
0x47: {  	_ =	shalt  }
0x48: {  	_ =	shalt  }
0x49: {  	_ =	shalt  }
0x4a: {  	_ =	shalt  }
0x4b: {  	_ =	shalt  }
0x4c: {  	_ =	shalt  }
0x4d: {  	_ =	shalt  }
0x4e: {  	_ =	shalt  }
0x4f: {  	_ =	shalt  }
0x50: {  	_ =	shalt  }
0x51: {  	_ =	shalt  }
0x52: {  	_ =	shalt  }
0x53: {  	_ =	shalt  }
0x54: {  	_ =	shalt  }
0x55: {  	_ =	shalt  }
0x56: {  	_ =	shalt  }
0x57: {  	_ =	shalt  }
0x58: {  	_ =	shalt  }
0x59: {  	_ =	shalt  }
0x5a: {  	_ =	shalt  }
0x5b: {  	_ =	shalt  }
0x5c: {  	_ =	shalt  }
0x5d: {  	_ =	shalt  }
0x5e: {  	_ =	shalt  }
0x5f: {  	_ =	shalt  }
0x60: {  	_ =	shalt  }
0x61: {  	_ =	shalt  }
0x62: {  	_ =	shalt  }
0x63: {  	_ =	shalt  }
0x64: {  	_ =	shalt  }
0x65: {  	_ =	shalt  }
0x66: {  	_ =	shalt  }
0x67: {  	_ =	shalt  }
0x68: {  	_ =	shalt  }
0x69: {  	_ =	shalt  }
0x6a: {  	_ =	shalt  }
0x6b: {  	_ =	shalt  }
0x6c: {  	_ =	shalt  }
0x6d: {  	_ =	shalt  }
0x6e: {  	_ =	shalt  }
0x6f: {  	_ =	shalt  }
0x70: {  	_ =	shalt  }
0x71: {  	_ =	shalt  }
0x72: {  	_ =	shalt  }
0x73: {  	_ =	shalt  }
0x74: {  	_ =	shalt  }
0x75: {  	_ =	shalt  }
0x76: {  	_ =	shalt  }
0x77: {  	_ =	shalt  }
0x78: {  	_ =	shalt  }
0x79: {  	_ =	shalt  }
0x7a: {  	_ =	shalt  }
0x7b: {  	_ =	shalt  }
0x7c: {  	_ =	shalt  }
0x7d: {  	_ =	shalt  }
0x7e: {  	_ =	shalt  }
0x7f: {  	_ =	shalt  }
0x80: {  	_ =	shalt  }
0x81: {  	_ =	shalt  }
0x82: {  	_ =	shalt  }
0x83: {  	_ =	shalt  }
0x84: {  	_ =	shalt  }
0x85: {  	_ =	shalt  }
0x86: {  	_ =	shalt  }
0x87: {  	_ =	shalt  }
.Lfunc_end0:
.L_simem_size_0:
called_computation_lowered:
.L_overlay_start_0:
0x88: {  	s2 =	sld [smem:$0x3FD9]  }
0x89: {  	s3 =	sld [smem:$0x3FFE];
	_ =	sdelay $0x1  }
0x8a: {  	s1 =	srdreg.scid  }
0x8b: {  	s0 =	sand.u32 $0x1, s1  }
0x8c: {  	s16 =	sshll.u32 s0, $0xA;
	s2 =	sadd.s32 s3, s2  }
0x8d: {  	s2 =	sadd.s32 s2, s16  }
0x8e: {  	[smem:$0x3FC0] =	sst s2  }
0x8f: {  	_ = 	snop  }
0x90: {  	(tm) =	ssettm $0x1  }
0x91: {  	s17 =	sld [smem:$0x3FFB];
	_ =	sdelay $0x3  }
0x92: {  	_ =	strace s17  }
0x93: {  	s2 =	sld [smem:$0x3FFC];
	_ =	sdelay $0x3  }
0x94: {  	_ =	strace s2  }
0x95: {  	s2 =	sld [smem:$0x3FFD];
	_ =	sdelay $0x3  }
0x96: {  	_ =	strace s2  }
0x97: {  	_ =	strace $0x8FFFFFFF  }
0x98: {  	s18 =	sld [smem:$0x3FDB];
	_ =	sdelay $0x1  }
0x99: {  	s19 =	simm.s32 $_scs_section_size  }
0x9a: {  	s4 =	simm.s32 $_size__tile_overlayer_lowered;
	s5 =	simm.s32 $_tile_overlayer_lowered  }
0x9b: {  	s22 =	simm.s32 $0x1BFF;
	s21 =	sshll.u32 s5, $0x1;
	s2 =	sadd.s32 s19, s18  }
0x9c: {  	s6 =	simm.s32 $0x0;
	s20 =	sshll.u32 s4, $0x1;
	s4 =	sadd.s32 s21, s2  }
0x9d: {  	[timem:s6], [sflag:s22] =	dma.local [hbm:s4], s20  }
0x9e: {  	_ =	swait.ge [sflag:s22], s20  }
0x9f: {  	s3 =	ssub.s32 $0x0, s20;
	[sflag:s22] =	ssyncset.done $0x0  }
0xa0: {  	[sflag:s22] =	ssyncadd.s32 s3;
	_ =	sdelay $0x1  }
0xa1: {  	s23 =	simm.s32 $0x1B8B  }
0xa2: {  	_ =	swait.ge [sflag:s23], $0x1  }
0xa3: {  	[sflag:s23] =	ssyncset.done $0x0  }
0xa4: {  	s25 =	simm.s32 $0x1B8E;
	s24 =	sld [smem:$0x3FFE];
	[sflag:s23] =	ssyncadd.s32 $0xFFFFFFFF  }
0xa5: {  	s26 =	simm.s32 $execute0_lowered;
	[smem:$0x3FD2] =	sst s25  }
0xa6: {  	s4 =	sshll.u32 s26, $0x1;
	_ =	strace $0x80000046;
	[dreg:$0x1] =	wrdreg $0xFFFFFFFF  }
0xa7: {  	s28 =	simm.s32 $_size_execute0_lowered;
	s2 =	sadd.s32 s2, s4;
	[dreg:$0x0] =	wrdreg $0x0  }
0xa8: {  	s4 =	sshll.u32 s28, $0x1;
	[dreg:$0x2] =	wrdreg s2  }
0xa9: {  	[dreg:$0x3] =	wrdreg s4  }
0xaa: {  	[dreg:$0x4] =	wrdreg $0xC0  }
0xab: {  	_ =	task [dreg:s6], $0x5FFFF  }
0xac: {  	[dreg:$0x1] =	wrdreg $0xFFFFFFFF  }
0xad: {  	[dreg:$0x0] =	wrdreg $0x60  }
0xae: {  	[dreg:$0x2] =	wrdreg s24  }
0xaf: {  	[dreg:$0x3] =	wrdreg $0x68000  }
0xb0: {  	[dreg:$0x4] =	wrdreg $0x9  }
0xb1: {  	_ =	task.clear_ibuf [dreg:s6], $0x5FFFF;
	_ =	strace $0x90000046  }
0xb2: {  	s29 =	simm.s32 $0x9;
	_ =	strace $0x80000048  }
0xb3: {  	_ =	swait.ge [sflag:s29], $0x1  }
0xb4: {  	[sflag:s29] =	ssyncadd.s32 $0xFFFFFFFF  }
0xb5: {  	_ =	strace $0x90000048  }
0xb6: {  	_ =	sfence  }
0xb7: {  	s30 =	sld [smem:$0x0];
	_ =	sdelay $0x2  }
0xb8: {  	s31 =	sshll.u32 s1, $0xD;
	s1 =	sshrl.u32 s1, $0x2  }
0xb9: {  	s3 =	sand.u32 $0x4000, s31;
	s1 =	sadd.s32 s1, s30  }
0xba: {  	s0 =	sor.u32 s3, s0;
	s1 =	sshll.u32 s1, $0x11  }
0xbb: {  	s0 =	sor.u32 s1, s0  }
0xbc: {  	s0 =	sadd.s32 $0x8F2B, s0  }
0xbd: {  	[sflag:s0] =	ssyncadd.remote.s32 $0x1  }
0xbe: {  	_ =	sfence.sel $0xFFFF  }
0xbf: {  	[dreg:$0x0] =	wrdreg $0xFFFFFFFF;
	(pc) =	sbr.abs _section_cstart, $3  }
0xc0: {  	[dreg:$0x1] =	wrdreg $0xFFFFFFFF  }
0xc1: {  	_ =	task.clear_ibuf [dreg:s6], $0x2FFFF;
	_ =	strace $0x9FFFFFFF  }
0xc2: {  	(tm) =	ssettm $0x7FFFFFFF  }
0xc3: {  	_ =	shalt  }
tec
execute0_lowered:
.L_overlay_start_1:
0x0: {  	(tag) =	ssettag $0x1  }
0x1: {  	s1 =	srdreg.scid  }
0x2: {  	s0 =	stileid.u32;
	s5 =	rddreg [dreg:$0x0]  }
0x3: {  	s2 =	rddreg [dreg:$0x1];
	s3 =	simm.s32 $0x0;
	s12 =	simm.s32 $0x2800  }
0x4: {  	s4 =	sand.u32 $0x1, s1;
	s28 =	sshll.u32 s0, $0x1;
	s7 =	smul.u32 $0x14000, s0  }
0x5: {  	[smem:$0x7FF] =	sst s3;
	s29 =	smul.u32 $0x50000, s0;
	s31 =	sshll.u32 s0, $0x6  }
0x6: {  	s1 =	sor.u32 s4, s28;
	s8 =	smul.u32 $0x140000, s4;
	s4 =	ssub.s32 $0x2, s4  }
0x7: {  	s6 =	smul.u32 $0x500, s1;
	s1 =	rddreg [dreg:$0x2];
	_ =	strace $0x80000047  }
0x8: {  	s9 =	sshrl.u32 s7, $0x3;
	s30 =	sshrl.u32 s4, $0x1;
	s7 =	sadd.s32 s7, s8  }
0x9: {  	s9 =	sadd.s32 s9, s5;
	s8 =	sshrl.u32 s29, $0x2;
	s10 =	ssub.s32 s4, s30  }
0xa: {  	s6 =	sadd.s32 s6, s5;
	s7 =	sshrl.u32 s7, $0x3;
	s11 =	sadd.s32 s8, s2  }
0xb: {  	s4 =	sadd.s32 $0x16600, s9;
	s8 =	smax.u32 s10, $0x1;
	s10 =	simm.s32 $0x1  }
0xc: {  	s7 =	sadd.s32 s7, s5;
	s5 =	sor.u32 $0x1C01, s31;
	s6 =	sadd.s32 $0xC600, s6  }
0xd: {  	v0 =	vimm.f32 $1.000000000e+00;
	s9 =	sshrl.u32 s11, $0x3;
	s11 =	simm.s32 $0x80;
	s7 =	sadd.s32 $0x3E600, s7  }
.LBB2_1:
0xe: {  	s13 =	simm.s32 $0x200;
	s14 =	simm.s32 $0x0  }
.LBB2_2:
0xf: {  	p0 =	sne.s32 s13, $0xFE00;
	[tilespmem:s14+$0x2800] =	vst v0;
	s14 =	smov.u32 s13;
	s13 =	sadd.s32 $0x200, s13  }
.Ltmp0:
0x10: {  	(pc) =	sbr.rel @p0 .LBB2_2-.Ltmp0, $2  }
0x11: {  	_ =	sdelay $0x2  }
0x12: {  	s14 =	sshra.s32 s14, $0x2  }
0x13: {  	[tilespmem:s14+$0x2800] =	vst v0  }
0x14: {  	[spmem:s9], [sflag:s5] =	dma.local [hbm:s4], $0x2800  }
0x15: {  	_ =	swait.ge [sflag:s10], $0x2800  }
0x16: {  	[sflag:s10] =	ssyncset.done $0x0  }
0x17: {  	s13 =	simm.s32 $0x0;
	[sflag:s10] =	ssyncadd.s32 $0xFFFFD800  }
0x18: {  	[tilespmem:s13], [sflag:$0x1] =	stream.linear.gather [hbm4b:s6+s13], $0x2800, $0x38;
	[tilespmem:$0x9000] =	vst v63  }
0x19: {  	_ =	swait.ge [sflag:s10], $0x2800  }
0x1a: {  	[sflag:s10] =	ssyncset.done $0x0  }
0x1b: {  	[sflag:s10] =	ssyncadd.s32 $0xFFFFD800  }
0x1c: {  	s31 =	simm.s32 $0x0;
	[bflag:$0x0] =	sbarrier.arrive $0xFFFF  }
0x1d: {  	[spmem:s2] =	stream.indirect.scatter.add.f32 [tilespmem:s12], [sflag:$0x1], $0x10, s31, s11, $0xb8;
	[tilespmem:$0x9000] =	vst v63  }
0x1e: {  	_ =	swait.ge [sflag:s10], $0x800  }
0x1f: {  	s13 =	simm.s32 $0x200;
	[sflag:s10] =	ssyncset.done $0x0  }
.LBB2_4:
0x20: {  	s14 =	sshra.s32 s13, $0x2;
	[sflag:s10] =	ssyncadd.s32 $0xFFFFF800;
	p0 =	sne.s32 s13, $0x9E00  }
0x21: {  	[spmem:s2] =	stream.indirect.scatter.add.f32 [tilespmem:s12], [sflag:$0x1], $0x10, s14, s11, $0xb8;
	[tilespmem:$0x9000] =	vst v63  }
.Ltmp1:
0x22: {  	_ = 	snop;
	(pc) =	sbr.rel @p0 .LBB2_4-.Ltmp1, $4  }
0x23: {  	_ = 	snop  }
0x24: {  	s13 =	sadd.s32 $0x200, s13  }
0x25: {  	_ =	swait.ge [sflag:s10], $0x800  }
0x26: {  	[sflag:s10] =	ssyncset.done $0x0  }
0x27: {  	s3 =	sadd.s32 $0x1, s3  }
0x28: {  	[sflag:s10] =	ssyncadd.s32 $0xFFFFF800;
	p0 =	sne.s32 s3, s8  }
.Ltmp2:
0x29: {  	[bflag:$0x0] =	sbarrier.arrive $0xFFFF;
	(pc) =	sbr.rel @p0 .LBB2_1-.Ltmp2, $4  }
0x2a: {  	[hbm:s7], [sflag:s5] =	dma.local [spmem:s9], $0x2800  }
0x2b: {  	_ =	swait.ge [sflag:s10], $0x2800  }
0x2c: {  	[sflag:s10] =	ssyncset.done $0x0  }
0x2d: {  	[sflag:s10] =	ssyncadd.s32 $0xFFFFD800  }
0x2e: {  	_ =	sfence.sel $0x180000  }
0x2f: {  	[bflag:$0x0] =	sbarrier.arrive $0xFFFF  }
0x30: {  	p0 =	sne.s32 s0, $0x0;
	_ =	strace $0x90000047  }
0x31: {  	s0 =	sadd.s32 @!p0 $0x100000, s1;
	[bflag:$0x2] =	sbarrier.arrive $0xFFFF  }
0x32: {  	[sflag:s0] =	ssyncadd.tile.s32 @!p0 $0x1;
	_ =	shalt  }
.Lfunc_end2:
_tile_overlayer_lowered:
.L_overlay_start_2:
0x33: {  	(tag) =	ssettag $0x2  }
0x34: {  	s0 =	rddreg [dreg:$0x0];
	s2 =	stileid.u32  }
0x35: {  	s1 =	rddreg [dreg:$0x1];
	p0 =	sne.s32 s2, $0x0  }
0x36: {  	s3 =	rddreg [dreg:$0x2];
	[bflag:$0x3] =	sbarrier.arrive $0xFFFF;
	s2 =	simm.s32 @!p0 $0x1C01  }
0x37: {  	[timem:s3], [sflag:s2] =	dma.local @!p0 [hbm:s0], s1  }
0x38: {  	s0 =	simm.s32 @!p0 $0x1  }
0x39: {  	_ =	swait.ge @!p0 [sflag:s0], s1  }
0x3a: {  	s1 =	ssub.s32 @!p0 $0x0, s1;
	[sflag:s0] =	ssyncset.done @!p0 $0x0  }
0x3b: {  	[sflag:s0] =	ssyncadd.s32 @!p0 s1  }
0x3c: {  	[bflag:$0x3] =	sbarrier.arrive $0xFFFF  }
0x3d: {  	_ =	shalt  }

</sc_bundles>
